<compile_context>
chip_gen: v7x
topology: tpu7x:2x2x1
jax: 0.10.2.dev20260603
libtpu: 0.0.44.dev20260713+nightly
codegen_flags: <defaults>
</compile_context>

<pallas_src>
import jax
import jax.numpy as jnp
from jax import lax
from jax.experimental import pallas as pl
from jax.experimental.pallas import tpu as pltpu
from jax.experimental.pallas import tpu_sc as plsc

NUM_CORES = 2
NUM_SUBCORES = 16
NW = NUM_CORES * NUM_SUBCORES

B = 16384
J = 26
DIM = 64
N_TOTAL = B * J
IDX_W = 128
CHUNKS = N_TOTAL // (NW * IDX_W)
NBUF = 8


def _gather_body(table_hbm, idx_hbm, out_hbm, idx_v,
                 g0, g1, g2, g3, g4, g5, g6, g7,
                 gs0, gs1, gs2, gs3, gs4, gs5, gs6, gs7,
                 ws0, ws1, ws2, ws3, ws4, ws5, ws6, ws7):
    gbufs = [g0, g1, g2, g3, g4, g5, g6, g7]
    gsems = [gs0, gs1, gs2, gs3, gs4, gs5, gs6, gs7]
    wsems = [ws0, ws1, ws2, ws3, ws4, ws5, ws6, ws7]

    wid = lax.axis_index("s") * NUM_CORES + lax.axis_index("c")
    pltpu.sync_copy(idx_hbm.at[pl.ds(wid * CHUNKS, CHUNKS)], idx_v)
    base = wid * CHUNKS

    def fire_g(b, t):
        pltpu.async_copy(table_hbm.at[idx_v.at[t]], gbufs[b], gsems[b])

    def wait_g(b, t):
        pltpu.make_async_copy(
            table_hbm.at[idx_v.at[t]], gbufs[b], gsems[b]).wait()

    def out_slice(t):
        return out_hbm.at[pl.ds((base + t) * IDX_W, IDX_W)]

    def fire_w(b, t):
        pltpu.async_copy(gbufs[b], out_slice(t), wsems[b])

    def wait_w(b, t):
        pltpu.make_async_copy(gbufs[b], out_slice(t), wsems[b]).wait()

    for t in range(NBUF - 1):
        fire_g(t, t)

    def group(G, carry):
        for b in range(NBUF):
            t = NBUF * G + b
            wait_g(b, t)
            tn = t + NBUF - 1
            bn = (b + NBUF - 1) % NBUF

            @pl.when(tn < CHUNKS)
            def _():
                @pl.when(tn >= NBUF)
                def _():
                    wait_w(bn, tn - NBUF)
                fire_g(bn, tn)

            fire_w(b, t)
        return carry

    lax.fori_loop(0, CHUNKS // NBUF, group, 0)
    for t in range(CHUNKS - NBUF, CHUNKS):
        wait_w(t % NBUF, t)


@jax.jit
def _gather(x2d, table):
    mesh = plsc.VectorSubcoreMesh(core_axis_name="c", subcore_axis_name="s")
    k = pl.kernel(
        _gather_body,
        mesh=mesh,
        out_type=jax.ShapeDtypeStruct((N_TOTAL, DIM), jnp.float32),
        scratch_types=(
            [pltpu.VMEM((CHUNKS, IDX_W), jnp.int32)]
            + [pltpu.VMEM((IDX_W, DIM), jnp.float32)] * NBUF
            + [pltpu.SemaphoreType.DMA] * (2 * NBUF)
        ),
        compiler_params=pltpu.CompilerParams(
            use_tc_tiling_on_sc=False, needs_layout_passes=False),
    )
    return k(table, x2d)


def kernel(x, table):
    x2d = x.reshape(NW * CHUNKS, IDX_W)
    out = _gather(x2d, table)
    return out.reshape(B, J, DIM)

# --- scband reference (transcript-rebuilt; emitter-appended) ---
"""Pipeline reference for scband-embedding-perturbation-encoder-10668698763715 (READ-ONLY COPY).

The authoritative reference and input builder live on the scoring server;
editing this copy changes nothing except your own understanding.
"""

import jax, jax.numpy as jnp
import numpy as np

NUM_PERTURBATIONS = 1000000
DIM = 64

def setup_inputs(seed: int = 0) -> dict:
    key = jax.random.key(seed)
    k_idx, k_tbl = jax.random.split(key)
    x = jax.random.randint(k_idx, (16384, 26), 0, NUM_PERTURBATIONS, dtype=jnp.int64 if jax.config.jax_enable_x64 else jnp.int32)
    table = jax.random.normal(k_tbl, (NUM_PERTURBATIONS, DIM), dtype=jnp.float32)
    return {"x": x, "table": table}

def reference(x, table):
    # Faithful translation of nn.Embedding forward: gather rows of the table.
    return jnp.take(table, x, axis=0)

if __name__ == "__main__":
    import jax
    _d = setup_inputs()
    print(jax.jit(kernel)(*tuple(_d.values())))

</pallas_src>

<mosaic_0001>
#map = affine_map<(d0, d1) -> (0, 0)>
module attributes {stable_mosaic.version = 14 : i64} {
  func.func @_gather_body(%arg0: i32, %arg1: i32, %arg2: memref<1000000x64xf32, #tpu.memory_space<hbm>>, %arg3: memref<3328x128xi32, #tpu.memory_space<hbm>>, %arg4: memref<425984x64xf32, #tpu.memory_space<hbm>>, %arg5: memref<104x128xi32, #tpu.memory_space<vmem>>, %arg6: memref<128x64xf32, #tpu.memory_space<vmem>>, %arg7: memref<128x64xf32, #tpu.memory_space<vmem>>, %arg8: memref<128x64xf32, #tpu.memory_space<vmem>>, %arg9: memref<128x64xf32, #tpu.memory_space<vmem>>, %arg10: memref<128x64xf32, #tpu.memory_space<vmem>>, %arg11: memref<128x64xf32, #tpu.memory_space<vmem>>, %arg12: memref<128x64xf32, #tpu.memory_space<vmem>>, %arg13: memref<128x64xf32, #tpu.memory_space<vmem>>, %arg14: memref<!tpu.dma_semaphore, #tpu.memory_space<semaphore_mem>>, %arg15: memref<!tpu.dma_semaphore, #tpu.memory_space<semaphore_mem>>, %arg16: memref<!tpu.dma_semaphore, #tpu.memory_space<semaphore_mem>>, %arg17: memref<!tpu.dma_semaphore, #tpu.memory_space<semaphore_mem>>, %arg18: memref<!tpu.dma_semaphore, #tpu.memory_space<semaphore_mem>>, %arg19: memref<!tpu.dma_semaphore, #tpu.memory_space<semaphore_mem>>, %arg20: memref<!tpu.dma_semaphore, #tpu.memory_space<semaphore_mem>>, %arg21: memref<!tpu.dma_semaphore, #tpu.memory_space<semaphore_mem>>, %arg22: memref<!tpu.dma_semaphore, #tpu.memory_space<semaphore_mem>>, %arg23: memref<!tpu.dma_semaphore, #tpu.memory_space<semaphore_mem>>, %arg24: memref<!tpu.dma_semaphore, #tpu.memory_space<semaphore_mem>>, %arg25: memref<!tpu.dma_semaphore, #tpu.memory_space<semaphore_mem>>, %arg26: memref<!tpu.dma_semaphore, #tpu.memory_space<semaphore_mem>>, %arg27: memref<!tpu.dma_semaphore, #tpu.memory_space<semaphore_mem>>, %arg28: memref<!tpu.dma_semaphore, #tpu.memory_space<semaphore_mem>>, %arg29: memref<!tpu.dma_semaphore, #tpu.memory_space<semaphore_mem>>) attributes {dimension_semantics = [#tpu.dimension_semantics<core_parallel>, #tpu.dimension_semantics<subcore_parallel>], iteration_bounds = array<i64: 2, 16>, scalar_prefetch = 0 : i64, scratch_operands = 25 : i64, tpu.core_type = #tpu.core_type<sc_vector_subcore>, window_params = [{transform_indices = #map}, {transform_indices = #map}, {transform_indices = #map}]} {
    %mul3A = arith.constant 2 : i32
    %mul3A_0 = arith.muli %arg1, %mul3A : i32
    %add3A = arith.addi %mul3A_0, %arg0 : i32
    %mul3A_1 = arith.constant 104 : i32
    %mul3A_2 = arith.muli %add3A, %mul3A_1 : i32
    "tpu.region"() ({
      %run_scoped3A = tpu.sem_alloc : memref<!tpu.dma_semaphore, #tpu.memory_space<semaphore_mem>>
      %dma_start3A_121 = arith.constant 0 : i32
      %dma_start3A_122 = tpu.memref_slice %arg3[%mul3A_2, %dma_start3A_121] : memref<3328x128xi32, #tpu.memory_space<hbm>> -> memref<104x128xi32, #tpu.memory_space<hbm>>
      %dma_start3A_123 = arith.constant 0 : i32
      %dma_start3A_124 = tpu.memref_slice %arg3[%mul3A_2, %dma_start3A_123] : memref<3328x128xi32, #tpu.memory_space<hbm>> -> memref<104x128xi32, #tpu.memory_space<hbm>>
      tpu.enqueue_dma source(%dma_start3A_124 : memref<104x128xi32, #tpu.memory_space<hbm>>) target(%arg5 : memref<104x128xi32, #tpu.memory_space<vmem>>) target_semaphore(%run_scoped3A : memref<!tpu.dma_semaphore, #tpu.memory_space<semaphore_mem>>)
      %dma_wait3A_125 = arith.constant 0 : i32
      %dma_wait3A_126 = tpu.memref_slice %arg3[%mul3A_2, %dma_wait3A_125] : memref<3328x128xi32, #tpu.memory_space<hbm>> -> memref<104x128xi32, #tpu.memory_space<hbm>>
      %dma_wait3A_127 = arith.constant 0 : i32
      %dma_wait3A_128 = tpu.memref_slice %arg3[%mul3A_2, %dma_wait3A_127] : memref<3328x128xi32, #tpu.memory_space<hbm>> -> memref<104x128xi32, #tpu.memory_space<hbm>>
      tpu.wait_dma2 semaphore(%run_scoped3A : memref<!tpu.dma_semaphore, #tpu.memory_space<semaphore_mem>>) src(%dma_wait3A_128 : memref<104x128xi32, #tpu.memory_space<hbm>>) dst(%arg5 : memref<104x128xi32, #tpu.memory_space<vmem>>)
      tpu.yield
    }) : () -> ()
    %mul3A_3 = arith.constant 104 : i32
    %mul3A_4 = arith.muli %add3A, %mul3A_3 : i32
    %dma_start3A = arith.constant 0 : i32
    %dma_start3A_5 = arith.constant 0 : i32
    %dma_start3A_6 = tpu.memref_slice %arg5[%dma_start3A, %dma_start3A_5] : memref<104x128xi32, #tpu.memory_space<vmem>> -> memref<1x128xi32, #tpu.memory_space<vmem>>
    %dma_start3A_7 = tpu.memref_squeeze %dma_start3A_6 : memref<1x128xi32, #tpu.memory_space<vmem>> -> memref<128xi32, #tpu.memory_space<vmem>>
    %dma_start3A_8 = arith.constant 0 : i32
    %dma_start3A_9 = arith.constant 0 : i32
    %dma_start3A_10 = tpu.memref_slice %arg2[%dma_start3A_8, %dma_start3A_9] : memref<1000000x64xf32, #tpu.memory_space<hbm>> -> memref<1000000x64xf32, #tpu.memory_space<hbm>>
    tpu.enqueue_indirect_dma source(%dma_start3A_10 : memref<1000000x64xf32, #tpu.memory_space<hbm>>) target(%arg6 : memref<128x64xf32, #tpu.memory_space<vmem>>) offsets(%dma_start3A_7 : memref<128xi32, #tpu.memory_space<vmem>>) semaphore(%arg14 : memref<!tpu.dma_semaphore, #tpu.memory_space<semaphore_mem>>)
    %dma_start3A_11 = arith.constant 1 : i32
    %dma_start3A_12 = arith.constant 0 : i32
    %dma_start3A_13 = tpu.memref_slice %arg5[%dma_start3A_11, %dma_start3A_12] : memref<104x128xi32, #tpu.memory_space<vmem>> -> memref<1x128xi32, #tpu.memory_space<vmem>>
    %dma_start3A_14 = tpu.memref_squeeze %dma_start3A_13 : memref<1x128xi32, #tpu.memory_space<vmem>> -> memref<128xi32, #tpu.memory_space<vmem>>
    %dma_start3A_15 = arith.constant 0 : i32
    %dma_start3A_16 = arith.constant 0 : i32
    %dma_start3A_17 = tpu.memref_slice %arg2[%dma_start3A_15, %dma_start3A_16] : memref<1000000x64xf32, #tpu.memory_space<hbm>> -> memref<1000000x64xf32, #tpu.memory_space<hbm>>
    tpu.enqueue_indirect_dma source(%dma_start3A_17 : memref<1000000x64xf32, #tpu.memory_space<hbm>>) target(%arg7 : memref<128x64xf32, #tpu.memory_space<vmem>>) offsets(%dma_start3A_14 : memref<128xi32, #tpu.memory_space<vmem>>) semaphore(%arg15 : memref<!tpu.dma_semaphore, #tpu.memory_space<semaphore_mem>>)
    %dma_start3A_18 = arith.constant 2 : i32
    %dma_start3A_19 = arith.constant 0 : i32
    %dma_start3A_20 = tpu.memref_slice %arg5[%dma_start3A_18, %dma_start3A_19] : memref<104x128xi32, #tpu.memory_space<vmem>> -> memref<1x128xi32, #tpu.memory_space<vmem>>
    %dma_start3A_21 = tpu.memref_squeeze %dma_start3A_20 : memref<1x128xi32, #tpu.memory_space<vmem>> -> memref<128xi32, #tpu.memory_space<vmem>>
    %dma_start3A_22 = arith.constant 0 : i32
    %dma_start3A_23 = arith.constant 0 : i32
    %dma_start3A_24 = tpu.memref_slice %arg2[%dma_start3A_22, %dma_start3A_23] : memref<1000000x64xf32, #tpu.memory_space<hbm>> -> memref<1000000x64xf32, #tpu.memory_space<hbm>>
    tpu.enqueue_indirect_dma source(%dma_start3A_24 : memref<1000000x64xf32, #tpu.memory_space<hbm>>) target(%arg8 : memref<128x64xf32, #tpu.memory_space<vmem>>) offsets(%dma_start3A_21 : memref<128xi32, #tpu.memory_space<vmem>>) semaphore(%arg16 : memref<!tpu.dma_semaphore, #tpu.memory_space<semaphore_mem>>)
    %dma_start3A_25 = arith.constant 3 : i32
    %dma_start3A_26 = arith.constant 0 : i32
    %dma_start3A_27 = tpu.memref_slice %arg5[%dma_start3A_25, %dma_start3A_26] : memref<104x128xi32, #tpu.memory_space<vmem>> -> memref<1x128xi32, #tpu.memory_space<vmem>>
    %dma_start3A_28 = tpu.memref_squeeze %dma_start3A_27 : memref<1x128xi32, #tpu.memory_space<vmem>> -> memref<128xi32, #tpu.memory_space<vmem>>
    %dma_start3A_29 = arith.constant 0 : i32
    %dma_start3A_30 = arith.constant 0 : i32
    %dma_start3A_31 = tpu.memref_slice %arg2[%dma_start3A_29, %dma_start3A_30] : memref<1000000x64xf32, #tpu.memory_space<hbm>> -> memref<1000000x64xf32, #tpu.memory_space<hbm>>
    tpu.enqueue_indirect_dma source(%dma_start3A_31 : memref<1000000x64xf32, #tpu.memory_space<hbm>>) target(%arg9 : memref<128x64xf32, #tpu.memory_space<vmem>>) offsets(%dma_start3A_28 : memref<128xi32, #tpu.memory_space<vmem>>) semaphore(%arg17 : memref<!tpu.dma_semaphore, #tpu.memory_space<semaphore_mem>>)
    %dma_start3A_32 = arith.constant 4 : i32
    %dma_start3A_33 = arith.constant 0 : i32
    %dma_start3A_34 = tpu.memref_slice %arg5[%dma_start3A_32, %dma_start3A_33] : memref<104x128xi32, #tpu.memory_space<vmem>> -> memref<1x128xi32, #tpu.memory_space<vmem>>
    %dma_start3A_35 = tpu.memref_squeeze %dma_start3A_34 : memref<1x128xi32, #tpu.memory_space<vmem>> -> memref<128xi32, #tpu.memory_space<vmem>>
    %dma_start3A_36 = arith.constant 0 : i32
    %dma_start3A_37 = arith.constant 0 : i32
    %dma_start3A_38 = tpu.memref_slice %arg2[%dma_start3A_36, %dma_start3A_37] : memref<1000000x64xf32, #tpu.memory_space<hbm>> -> memref<1000000x64xf32, #tpu.memory_space<hbm>>
    tpu.enqueue_indirect_dma source(%dma_start3A_38 : memref<1000000x64xf32, #tpu.memory_space<hbm>>) target(%arg10 : memref<128x64xf32, #tpu.memory_space<vmem>>) offsets(%dma_start3A_35 : memref<128xi32, #tpu.memory_space<vmem>>) semaphore(%arg18 : memref<!tpu.dma_semaphore, #tpu.memory_space<semaphore_mem>>)
    %dma_start3A_39 = arith.constant 5 : i32
    %dma_start3A_40 = arith.constant 0 : i32
    %dma_start3A_41 = tpu.memref_slice %arg5[%dma_start3A_39, %dma_start3A_40] : memref<104x128xi32, #tpu.memory_space<vmem>> -> memref<1x128xi32, #tpu.memory_space<vmem>>
    %dma_start3A_42 = tpu.memref_squeeze %dma_start3A_41 : memref<1x128xi32, #tpu.memory_space<vmem>> -> memref<128xi32, #tpu.memory_space<vmem>>
    %dma_start3A_43 = arith.constant 0 : i32
    %dma_start3A_44 = arith.constant 0 : i32
    %dma_start3A_45 = tpu.memref_slice %arg2[%dma_start3A_43, %dma_start3A_44] : memref<1000000x64xf32, #tpu.memory_space<hbm>> -> memref<1000000x64xf32, #tpu.memory_space<hbm>>
    tpu.enqueue_indirect_dma source(%dma_start3A_45 : memref<1000000x64xf32, #tpu.memory_space<hbm>>) target(%arg11 : memref<128x64xf32, #tpu.memory_space<vmem>>) offsets(%dma_start3A_42 : memref<128xi32, #tpu.memory_space<vmem>>) semaphore(%arg19 : memref<!tpu.dma_semaphore, #tpu.memory_space<semaphore_mem>>)
    %dma_start3A_46 = arith.constant 6 : i32
    %dma_start3A_47 = arith.constant 0 : i32
    %dma_start3A_48 = tpu.memref_slice %arg5[%dma_start3A_46, %dma_start3A_47] : memref<104x128xi32, #tpu.memory_space<vmem>> -> memref<1x128xi32, #tpu.memory_space<vmem>>
    %dma_start3A_49 = tpu.memref_squeeze %dma_start3A_48 : memref<1x128xi32, #tpu.memory_space<vmem>> -> memref<128xi32, #tpu.memory_space<vmem>>
    %dma_start3A_50 = arith.constant 0 : i32
    %dma_start3A_51 = arith.constant 0 : i32
    %dma_start3A_52 = tpu.memref_slice %arg2[%dma_start3A_50, %dma_start3A_51] : memref<1000000x64xf32, #tpu.memory_space<hbm>> -> memref<1000000x64xf32, #tpu.memory_space<hbm>>
    tpu.enqueue_indirect_dma source(%dma_start3A_52 : memref<1000000x64xf32, #tpu.memory_space<hbm>>) target(%arg12 : memref<128x64xf32, #tpu.memory_space<vmem>>) offsets(%dma_start3A_49 : memref<128xi32, #tpu.memory_space<vmem>>) semaphore(%arg20 : memref<!tpu.dma_semaphore, #tpu.memory_space<semaphore_mem>>)
    %scan3A = arith.constant 0 : i32
    %scan3A_53 = arith.constant 0 : i32
    %scan3A_54 = arith.constant 13 : i32
    %scan3A_55 = arith.addi %scan3A_53, %scan3A_54 : i32
    %scan3A_56 = arith.constant 1 : i32
    scf.for %scan3A_121 = %scan3A_53 to %scan3A_55 step %scan3A_56  : i32 {
      %mul3A_122 = arith.constant 8 : i32
      %mul3A_123 = arith.muli %mul3A_122, %scan3A_121 : i32
      %add3A_124 = arith.constant 0 : i32
      %add3A_125 = arith.addi %mul3A_123, %add3A_124 : i32
      %dma_wait3A_126 = arith.constant 0 : i32
      %dma_wait3A_127 = tpu.memref_slice %arg5[%add3A_125, %dma_wait3A_126] : memref<104x128xi32, #tpu.memory_space<vmem>> -> memref<1x128xi32, #tpu.memory_space<vmem>>
      %dma_wait3A_128 = tpu.memref_squeeze %dma_wait3A_127 : memref<1x128xi32, #tpu.memory_space<vmem>> -> memref<128xi32, #tpu.memory_space<vmem>>
      %dma_wait3A_129 = arith.constant 0 : i32
      %dma_wait3A_130 = arith.constant 0 : i32
      %dma_wait3A_131 = tpu.memref_slice %arg2[%dma_wait3A_129, %dma_wait3A_130] : memref<1000000x64xf32, #tpu.memory_space<hbm>> -> memref<1000000x64xf32, #tpu.memory_space<hbm>>
      tpu.wait_indirect_dma semaphore(%arg14 : memref<!tpu.dma_semaphore, #tpu.memory_space<semaphore_mem>>) src(%dma_wait3A_131 : memref<1000000x64xf32, #tpu.memory_space<hbm>>) dst(%arg6 : memref<128x64xf32, #tpu.memory_space<vmem>>)
      %add3A_132 = arith.constant 8 : i32
      %add3A_133 = arith.addi %add3A_125, %add3A_132 : i32
      %sub3A = arith.constant 1 : i32
      %sub3A_134 = arith.subi %add3A_133, %sub3A : i32
      %lt3A = arith.constant 104 : i32
      %lt3A_135 = arith.cmpi slt, %sub3A_134, %lt3A : i32
      %convert_element_type3A = arith.extui %lt3A_135 : i1 to i32
      %cond3A = arith.constant 0 : i32
      %cond3A_136 = arith.cmpi ne, %convert_element_type3A, %cond3A : i32
      scf.if %cond3A_136 {
        %ge3A = arith.constant 8 : i32
        %ge3A_326 = arith.cmpi sge, %sub3A_134, %ge3A : i32
        %convert_element_type3A_327 = arith.extui %ge3A_326 : i1 to i32
        %cond3A_328 = arith.constant 0 : i32
        %cond3A_329 = arith.cmpi ne, %convert_element_type3A_327, %cond3A_328 : i32
        scf.if %cond3A_329 {
          %sub3A_336 = arith.constant 8 : i32
          %sub3A_337 = arith.subi %sub3A_134, %sub3A_336 : i32
          %add3A_338 = arith.addi %mul3A_4, %sub3A_337 : i32
          %mul3A_339 = arith.constant 128 : i32
          %mul3A_340 = arith.muli %add3A_338, %mul3A_339 : i32
          %dma_wait3A_341 = arith.constant 0 : i32
          %dma_wait3A_342 = tpu.memref_slice %arg4[%mul3A_340, %dma_wait3A_341] : memref<425984x64xf32, #tpu.memory_space<hbm>> -> memref<128x64xf32, #tpu.memory_space<hbm>>
          %dma_wait3A_343 = arith.constant 0 : i32
          %dma_wait3A_344 = tpu.memref_slice %arg4[%mul3A_340, %dma_wait3A_343] : memref<425984x64xf32, #tpu.memory_space<hbm>> -> memref<128x64xf32, #tpu.memory_space<hbm>>
          tpu.wait_dma2 semaphore(%arg29 : memref<!tpu.dma_semaphore, #tpu.memory_space<semaphore_mem>>) src(%arg13 : memref<128x64xf32, #tpu.memory_space<vmem>>) dst(%dma_wait3A_344 : memref<128x64xf32, #tpu.memory_space<hbm>>)
        } else {
        }
        %dma_start3A_330 = arith.constant 0 : i32
        %dma_start3A_331 = tpu.memref_slice %arg5[%sub3A_134, %dma_start3A_330] : memref<104x128xi32, #tpu.memory_space<vmem>> -> memref<1x128xi32, #tpu.memory_space<vmem>>
        %dma_start3A_332 = tpu.memref_squeeze %dma_start3A_331 : memref<1x128xi32, #tpu.memory_space<vmem>> -> memref<128xi32, #tpu.memory_space<vmem>>
        %dma_start3A_333 = arith.constant 0 : i32
        %dma_start3A_334 = arith.constant 0 : i32
        %dma_start3A_335 = tpu.memref_slice %arg2[%dma_start3A_333, %dma_start3A_334] : memref<1000000x64xf32, #tpu.memory_space<hbm>> -> memref<1000000x64xf32, #tpu.memory_space<hbm>>
        tpu.enqueue_indirect_dma source(%dma_start3A_335 : memref<1000000x64xf32, #tpu.memory_space<hbm>>) target(%arg13 : memref<128x64xf32, #tpu.memory_space<vmem>>) offsets(%dma_start3A_332 : memref<128xi32, #tpu.memory_space<vmem>>) semaphore(%arg21 : memref<!tpu.dma_semaphore, #tpu.memory_space<semaphore_mem>>)
      } else {
      }
      %add3A_137 = arith.addi %mul3A_4, %add3A_125 : i32
      %mul3A_138 = arith.constant 128 : i32
      %mul3A_139 = arith.muli %add3A_137, %mul3A_138 : i32
      %dma_start3A_140 = arith.constant 0 : i32
      %dma_start3A_141 = tpu.memref_slice %arg4[%mul3A_139, %dma_start3A_140] : memref<425984x64xf32, #tpu.memory_space<hbm>> -> memref<128x64xf32, #tpu.memory_space<hbm>>
      %dma_start3A_142 = arith.constant 0 : i32
      %dma_start3A_143 = tpu.memref_slice %arg4[%mul3A_139, %dma_start3A_142] : memref<425984x64xf32, #tpu.memory_space<hbm>> -> memref<128x64xf32, #tpu.memory_space<hbm>>
      tpu.enqueue_dma source(%arg6 : memref<128x64xf32, #tpu.memory_space<vmem>>) target(%dma_start3A_143 : memref<128x64xf32, #tpu.memory_space<hbm>>) target_semaphore(%arg22 : memref<!tpu.dma_semaphore, #tpu.memory_space<semaphore_mem>>)
      %mul3A_144 = arith.constant 8 : i32
      %mul3A_145 = arith.muli %mul3A_144, %scan3A_121 : i32
      %add3A_146 = arith.constant 1 : i32
      %add3A_147 = arith.addi %mul3A_145, %add3A_146 : i32
      %dma_wait3A_148 = arith.constant 0 : i32
      %dma_wait3A_149 = tpu.memref_slice %arg5[%add3A_147, %dma_wait3A_148] : memref<104x128xi32, #tpu.memory_space<vmem>> -> memref<1x128xi32, #tpu.memory_space<vmem>>
      %dma_wait3A_150 = tpu.memref_squeeze %dma_wait3A_149 : memref<1x128xi32, #tpu.memory_space<vmem>> -> memref<128xi32, #tpu.memory_space<vmem>>
      %dma_wait3A_151 = arith.constant 0 : i32
      %dma_wait3A_152 = arith.constant 0 : i32
      %dma_wait3A_153 = tpu.memref_slice %arg2[%dma_wait3A_151, %dma_wait3A_152] : memref<1000000x64xf32, #tpu.memory_space<hbm>> -> memref<1000000x64xf32, #tpu.memory_space<hbm>>
      tpu.wait_indirect_dma semaphore(%arg15 : memref<!tpu.dma_semaphore, #tpu.memory_space<semaphore_mem>>) src(%dma_wait3A_153 : memref<1000000x64xf32, #tpu.memory_space<hbm>>) dst(%arg7 : memref<128x64xf32, #tpu.memory_space<vmem>>)
      %add3A_154 = arith.constant 8 : i32
      %add3A_155 = arith.addi %add3A_147, %add3A_154 : i32
      %sub3A_156 = arith.constant 1 : i32
      %sub3A_157 = arith.subi %add3A_155, %sub3A_156 : i32
      %lt3A_158 = arith.constant 104 : i32
      %lt3A_159 = arith.cmpi slt, %sub3A_157, %lt3A_158 : i32
      %convert_element_type3A_160 = arith.extui %lt3A_159 : i1 to i32
      %cond3A_161 = arith.constant 0 : i32
      %cond3A_162 = arith.cmpi ne, %convert_element_type3A_160, %cond3A_161 : i32
      scf.if %cond3A_162 {
        %ge3A = arith.constant 8 : i32
        %ge3A_326 = arith.cmpi sge, %sub3A_157, %ge3A : i32
        %convert_element_type3A_327 = arith.extui %ge3A_326 : i1 to i32
        %cond3A_328 = arith.constant 0 : i32
        %cond3A_329 = arith.cmpi ne, %convert_element_type3A_327, %cond3A_328 : i32
        scf.if %cond3A_329 {
          %sub3A_336 = arith.constant 8 : i32
          %sub3A_337 = arith.subi %sub3A_157, %sub3A_336 : i32
          %add3A_338 = arith.addi %mul3A_4, %sub3A_337 : i32
          %mul3A_339 = arith.constant 128 : i32
          %mul3A_340 = arith.muli %add3A_338, %mul3A_339 : i32
          %dma_wait3A_341 = arith.constant 0 : i32
          %dma_wait3A_342 = tpu.memref_slice %arg4[%mul3A_340, %dma_wait3A_341] : memref<425984x64xf32, #tpu.memory_space<hbm>> -> memref<128x64xf32, #tpu.memory_space<hbm>>
          %dma_wait3A_343 = arith.constant 0 : i32
          %dma_wait3A_344 = tpu.memref_slice %arg4[%mul3A_340, %dma_wait3A_343] : memref<425984x64xf32, #tpu.memory_space<hbm>> -> memref<128x64xf32, #tpu.memory_space<hbm>>
          tpu.wait_dma2 semaphore(%arg22 : memref<!tpu.dma_semaphore, #tpu.memory_space<semaphore_mem>>) src(%arg6 : memref<128x64xf32, #tpu.memory_space<vmem>>) dst(%dma_wait3A_344 : memref<128x64xf32, #tpu.memory_space<hbm>>)
        } else {
        }
        %dma_start3A_330 = arith.constant 0 : i32
        %dma_start3A_331 = tpu.memref_slice %arg5[%sub3A_157, %dma_start3A_330] : memref<104x128xi32, #tpu.memory_space<vmem>> -> memref<1x128xi32, #tpu.memory_space<vmem>>
        %dma_start3A_332 = tpu.memref_squeeze %dma_start3A_331 : memref<1x128xi32, #tpu.memory_space<vmem>> -> memref<128xi32, #tpu.memory_space<vmem>>
        %dma_start3A_333 = arith.constant 0 : i32
        %dma_start3A_334 = arith.constant 0 : i32
        %dma_start3A_335 = tpu.memref_slice %arg2[%dma_start3A_333, %dma_start3A_334] : memref<1000000x64xf32, #tpu.memory_space<hbm>> -> memref<1000000x64xf32, #tpu.memory_space<hbm>>
        tpu.enqueue_indirect_dma source(%dma_start3A_335 : memref<1000000x64xf32, #tpu.memory_space<hbm>>) target(%arg6 : memref<128x64xf32, #tpu.memory_space<vmem>>) offsets(%dma_start3A_332 : memref<128xi32, #tpu.memory_space<vmem>>) semaphore(%arg14 : memref<!tpu.dma_semaphore, #tpu.memory_space<semaphore_mem>>)
      } else {
      }
      %add3A_163 = arith.addi %mul3A_4, %add3A_147 : i32
      %mul3A_164 = arith.constant 128 : i32
      %mul3A_165 = arith.muli %add3A_163, %mul3A_164 : i32
      %dma_start3A_166 = arith.constant 0 : i32
      %dma_start3A_167 = tpu.memref_slice %arg4[%mul3A_165, %dma_start3A_166] : memref<425984x64xf32, #tpu.memory_space<hbm>> -> memref<128x64xf32, #tpu.memory_space<hbm>>
      %dma_start3A_168 = arith.constant 0 : i32
      %dma_start3A_169 = tpu.memref_slice %arg4[%mul3A_165, %dma_start3A_168] : memref<425984x64xf32, #tpu.memory_space<hbm>> -> memref<128x64xf32, #tpu.memory_space<hbm>>
      tpu.enqueue_dma source(%arg7 : memref<128x64xf32, #tpu.memory_space<vmem>>) target(%dma_start3A_169 : memref<128x64xf32, #tpu.memory_space<hbm>>) target_semaphore(%arg23 : memref<!tpu.dma_semaphore, #tpu.memory_space<semaphore_mem>>)
      %mul3A_170 = arith.constant 8 : i32
      %mul3A_171 = arith.muli %mul3A_170, %scan3A_121 : i32
      %add3A_172 = arith.constant 2 : i32
      %add3A_173 = arith.addi %mul3A_171, %add3A_172 : i32
      %dma_wait3A_174 = arith.constant 0 : i32
      %dma_wait3A_175 = tpu.memref_slice %arg5[%add3A_173, %dma_wait3A_174] : memref<104x128xi32, #tpu.memory_space<vmem>> -> memref<1x128xi32, #tpu.memory_space<vmem>>
      %dma_wait3A_176 = tpu.memref_squeeze %dma_wait3A_175 : memref<1x128xi32, #tpu.memory_space<vmem>> -> memref<128xi32, #tpu.memory_space<vmem>>
      %dma_wait3A_177 = arith.constant 0 : i32
      %dma_wait3A_178 = arith.constant 0 : i32
      %dma_wait3A_179 = tpu.memref_slice %arg2[%dma_wait3A_177, %dma_wait3A_178] : memref<1000000x64xf32, #tpu.memory_space<hbm>> -> memref<1000000x64xf32, #tpu.memory_space<hbm>>
      tpu.wait_indirect_dma semaphore(%arg16 : memref<!tpu.dma_semaphore, #tpu.memory_space<semaphore_mem>>) src(%dma_wait3A_179 : memref<1000000x64xf32, #tpu.memory_space<hbm>>) dst(%arg8 : memref<128x64xf32, #tpu.memory_space<vmem>>)
      %add3A_180 = arith.constant 8 : i32
      %add3A_181 = arith.addi %add3A_173, %add3A_180 : i32
      %sub3A_182 = arith.constant 1 : i32
      %sub3A_183 = arith.subi %add3A_181, %sub3A_182 : i32
      %lt3A_184 = arith.constant 104 : i32
      %lt3A_185 = arith.cmpi slt, %sub3A_183, %lt3A_184 : i32
      %convert_element_type3A_186 = arith.extui %lt3A_185 : i1 to i32
      %cond3A_187 = arith.constant 0 : i32
      %cond3A_188 = arith.cmpi ne, %convert_element_type3A_186, %cond3A_187 : i32
      scf.if %cond3A_188 {
        %ge3A = arith.constant 8 : i32
        %ge3A_326 = arith.cmpi sge, %sub3A_183, %ge3A : i32
        %convert_element_type3A_327 = arith.extui %ge3A_326 : i1 to i32
        %cond3A_328 = arith.constant 0 : i32
        %cond3A_329 = arith.cmpi ne, %convert_element_type3A_327, %cond3A_328 : i32
        scf.if %cond3A_329 {
          %sub3A_336 = arith.constant 8 : i32
          %sub3A_337 = arith.subi %sub3A_183, %sub3A_336 : i32
          %add3A_338 = arith.addi %mul3A_4, %sub3A_337 : i32
          %mul3A_339 = arith.constant 128 : i32
          %mul3A_340 = arith.muli %add3A_338, %mul3A_339 : i32
          %dma_wait3A_341 = arith.constant 0 : i32
          %dma_wait3A_342 = tpu.memref_slice %arg4[%mul3A_340, %dma_wait3A_341] : memref<425984x64xf32, #tpu.memory_space<hbm>> -> memref<128x64xf32, #tpu.memory_space<hbm>>
          %dma_wait3A_343 = arith.constant 0 : i32
          %dma_wait3A_344 = tpu.memref_slice %arg4[%mul3A_340, %dma_wait3A_343] : memref<425984x64xf32, #tpu.memory_space<hbm>> -> memref<128x64xf32, #tpu.memory_space<hbm>>
          tpu.wait_dma2 semaphore(%arg23 : memref<!tpu.dma_semaphore, #tpu.memory_space<semaphore_mem>>) src(%arg7 : memref<128x64xf32, #tpu.memory_space<vmem>>) dst(%dma_wait3A_344 : memref<128x64xf32, #tpu.memory_space<hbm>>)
        } else {
        }
        %dma_start3A_330 = arith.constant 0 : i32
        %dma_start3A_331 = tpu.memref_slice %arg5[%sub3A_183, %dma_start3A_330] : memref<104x128xi32, #tpu.memory_space<vmem>> -> memref<1x128xi32, #tpu.memory_space<vmem>>
        %dma_start3A_332 = tpu.memref_squeeze %dma_start3A_331 : memref<1x128xi32, #tpu.memory_space<vmem>> -> memref<128xi32, #tpu.memory_space<vmem>>
        %dma_start3A_333 = arith.constant 0 : i32
        %dma_start3A_334 = arith.constant 0 : i32
        %dma_start3A_335 = tpu.memref_slice %arg2[%dma_start3A_333, %dma_start3A_334] : memref<1000000x64xf32, #tpu.memory_space<hbm>> -> memref<1000000x64xf32, #tpu.memory_space<hbm>>
        tpu.enqueue_indirect_dma source(%dma_start3A_335 : memref<1000000x64xf32, #tpu.memory_space<hbm>>) target(%arg7 : memref<128x64xf32, #tpu.memory_space<vmem>>) offsets(%dma_start3A_332 : memref<128xi32, #tpu.memory_space<vmem>>) semaphore(%arg15 : memref<!tpu.dma_semaphore, #tpu.memory_space<semaphore_mem>>)
      } else {
      }
      %add3A_189 = arith.addi %mul3A_4, %add3A_173 : i32
      %mul3A_190 = arith.constant 128 : i32
      %mul3A_191 = arith.muli %add3A_189, %mul3A_190 : i32
      %dma_start3A_192 = arith.constant 0 : i32
      %dma_start3A_193 = tpu.memref_slice %arg4[%mul3A_191, %dma_start3A_192] : memref<425984x64xf32, #tpu.memory_space<hbm>> -> memref<128x64xf32, #tpu.memory_space<hbm>>
      %dma_start3A_194 = arith.constant 0 : i32
      %dma_start3A_195 = tpu.memref_slice %arg4[%mul3A_191, %dma_start3A_194] : memref<425984x64xf32, #tpu.memory_space<hbm>> -> memref<128x64xf32, #tpu.memory_space<hbm>>
      tpu.enqueue_dma source(%arg8 : memref<128x64xf32, #tpu.memory_space<vmem>>) target(%dma_start3A_195 : memref<128x64xf32, #tpu.memory_space<hbm>>) target_semaphore(%arg24 : memref<!tpu.dma_semaphore, #tpu.memory_space<semaphore_mem>>)
      %mul3A_196 = arith.constant 8 : i32
      %mul3A_197 = arith.muli %mul3A_196, %scan3A_121 : i32
      %add3A_198 = arith.constant 3 : i32
      %add3A_199 = arith.addi %mul3A_197, %add3A_198 : i32
      %dma_wait3A_200 = arith.constant 0 : i32
      %dma_wait3A_201 = tpu.memref_slice %arg5[%add3A_199, %dma_wait3A_200] : memref<104x128xi32, #tpu.memory_space<vmem>> -> memref<1x128xi32, #tpu.memory_space<vmem>>
      %dma_wait3A_202 = tpu.memref_squeeze %dma_wait3A_201 : memref<1x128xi32, #tpu.memory_space<vmem>> -> memref<128xi32, #tpu.memory_space<vmem>>
      %dma_wait3A_203 = arith.constant 0 : i32
      %dma_wait3A_204 = arith.constant 0 : i32
      %dma_wait3A_205 = tpu.memref_slice %arg2[%dma_wait3A_203, %dma_wait3A_204] : memref<1000000x64xf32, #tpu.memory_space<hbm>> -> memref<1000000x64xf32, #tpu.memory_space<hbm>>
      tpu.wait_indirect_dma semaphore(%arg17 : memref<!tpu.dma_semaphore, #tpu.memory_space<semaphore_mem>>) src(%dma_wait3A_205 : memref<1000000x64xf32, #tpu.memory_space<hbm>>) dst(%arg9 : memref<128x64xf32, #tpu.memory_space<vmem>>)
      %add3A_206 = arith.constant 8 : i32
      %add3A_207 = arith.addi %add3A_199, %add3A_206 : i32
      %sub3A_208 = arith.constant 1 : i32
      %sub3A_209 = arith.subi %add3A_207, %sub3A_208 : i32
      %lt3A_210 = arith.constant 104 : i32
      %lt3A_211 = arith.cmpi slt, %sub3A_209, %lt3A_210 : i32
      %convert_element_type3A_212 = arith.extui %lt3A_211 : i1 to i32
      %cond3A_213 = arith.constant 0 : i32
      %cond3A_214 = arith.cmpi ne, %convert_element_type3A_212, %cond3A_213 : i32
      scf.if %cond3A_214 {
        %ge3A = arith.constant 8 : i32
        %ge3A_326 = arith.cmpi sge, %sub3A_209, %ge3A : i32
        %convert_element_type3A_327 = arith.extui %ge3A_326 : i1 to i32
        %cond3A_328 = arith.constant 0 : i32
        %cond3A_329 = arith.cmpi ne, %convert_element_type3A_327, %cond3A_328 : i32
        scf.if %cond3A_329 {
          %sub3A_336 = arith.constant 8 : i32
          %sub3A_337 = arith.subi %sub3A_209, %sub3A_336 : i32
          %add3A_338 = arith.addi %mul3A_4, %sub3A_337 : i32
          %mul3A_339 = arith.constant 128 : i32
          %mul3A_340 = arith.muli %add3A_338, %mul3A_339 : i32
          %dma_wait3A_341 = arith.constant 0 : i32
          %dma_wait3A_342 = tpu.memref_slice %arg4[%mul3A_340, %dma_wait3A_341] : memref<425984x64xf32, #tpu.memory_space<hbm>> -> memref<128x64xf32, #tpu.memory_space<hbm>>
          %dma_wait3A_343 = arith.constant 0 : i32
          %dma_wait3A_344 = tpu.memref_slice %arg4[%mul3A_340, %dma_wait3A_343] : memref<425984x64xf32, #tpu.memory_space<hbm>> -> memref<128x64xf32, #tpu.memory_space<hbm>>
          tpu.wait_dma2 semaphore(%arg24 : memref<!tpu.dma_semaphore, #tpu.memory_space<semaphore_mem>>) src(%arg8 : memref<128x64xf32, #tpu.memory_space<vmem>>) dst(%dma_wait3A_344 : memref<128x64xf32, #tpu.memory_space<hbm>>)
        } else {
        }
        %dma_start3A_330 = arith.constant 0 : i32
        %dma_start3A_331 = tpu.memref_slice %arg5[%sub3A_209, %dma_start3A_330] : memref<104x128xi32, #tpu.memory_space<vmem>> -> memref<1x128xi32, #tpu.memory_space<vmem>>
        %dma_start3A_332 = tpu.memref_squeeze %dma_start3A_331 : memref<1x128xi32, #tpu.memory_space<vmem>> -> memref<128xi32, #tpu.memory_space<vmem>>
        %dma_start3A_333 = arith.constant 0 : i32
        %dma_start3A_334 = arith.constant 0 : i32
        %dma_start3A_335 = tpu.memref_slice %arg2[%dma_start3A_333, %dma_start3A_334] : memref<1000000x64xf32, #tpu.memory_space<hbm>> -> memref<1000000x64xf32, #tpu.memory_space<hbm>>
        tpu.enqueue_indirect_dma source(%dma_start3A_335 : memref<1000000x64xf32, #tpu.memory_space<hbm>>) target(%arg8 : memref<128x64xf32, #tpu.memory_space<vmem>>) offsets(%dma_start3A_332 : memref<128xi32, #tpu.memory_space<vmem>>) semaphore(%arg16 : memref<!tpu.dma_semaphore, #tpu.memory_space<semaphore_mem>>)
      } else {
      }
      %add3A_215 = arith.addi %mul3A_4, %add3A_199 : i32
      %mul3A_216 = arith.constant 128 : i32
      %mul3A_217 = arith.muli %add3A_215, %mul3A_216 : i32
      %dma_start3A_218 = arith.constant 0 : i32
      %dma_start3A_219 = tpu.memref_slice %arg4[%mul3A_217, %dma_start3A_218] : memref<425984x64xf32, #tpu.memory_space<hbm>> -> memref<128x64xf32, #tpu.memory_space<hbm>>
      %dma_start3A_220 = arith.constant 0 : i32
      %dma_start3A_221 = tpu.memref_slice %arg4[%mul3A_217, %dma_start3A_220] : memref<425984x64xf32, #tpu.memory_space<hbm>> -> memref<128x64xf32, #tpu.memory_space<hbm>>
      tpu.enqueue_dma source(%arg9 : memref<128x64xf32, #tpu.memory_space<vmem>>) target(%dma_start3A_221 : memref<128x64xf32, #tpu.memory_space<hbm>>) target_semaphore(%arg25 : memref<!tpu.dma_semaphore, #tpu.memory_space<semaphore_mem>>)
      %mul3A_222 = arith.constant 8 : i32
      %mul3A_223 = arith.muli %mul3A_222, %scan3A_121 : i32
      %add3A_224 = arith.constant 4 : i32
      %add3A_225 = arith.addi %mul3A_223, %add3A_224 : i32
      %dma_wait3A_226 = arith.constant 0 : i32
      %dma_wait3A_227 = tpu.memref_slice %arg5[%add3A_225, %dma_wait3A_226] : memref<104x128xi32, #tpu.memory_space<vmem>> -> memref<1x128xi32, #tpu.memory_space<vmem>>
      %dma_wait3A_228 = tpu.memref_squeeze %dma_wait3A_227 : memref<1x128xi32, #tpu.memory_space<vmem>> -> memref<128xi32, #tpu.memory_space<vmem>>
      %dma_wait3A_229 = arith.constant 0 : i32
      %dma_wait3A_230 = arith.constant 0 : i32
      %dma_wait3A_231 = tpu.memref_slice %arg2[%dma_wait3A_229, %dma_wait3A_230] : memref<1000000x64xf32, #tpu.memory_space<hbm>> -> memref<1000000x64xf32, #tpu.memory_space<hbm>>
      tpu.wait_indirect_dma semaphore(%arg18 : memref<!tpu.dma_semaphore, #tpu.memory_space<semaphore_mem>>) src(%dma_wait3A_231 : memref<1000000x64xf32, #tpu.memory_space<hbm>>) dst(%arg10 : memref<128x64xf32, #tpu.memory_space<vmem>>)
      %add3A_232 = arith.constant 8 : i32
      %add3A_233 = arith.addi %add3A_225, %add3A_232 : i32
      %sub3A_234 = arith.constant 1 : i32
      %sub3A_235 = arith.subi %add3A_233, %sub3A_234 : i32
      %lt3A_236 = arith.constant 104 : i32
      %lt3A_237 = arith.cmpi slt, %sub3A_235, %lt3A_236 : i32
      %convert_element_type3A_238 = arith.extui %lt3A_237 : i1 to i32
      %cond3A_239 = arith.constant 0 : i32
      %cond3A_240 = arith.cmpi ne, %convert_element_type3A_238, %cond3A_239 : i32
      scf.if %cond3A_240 {
        %ge3A = arith.constant 8 : i32
        %ge3A_326 = arith.cmpi sge, %sub3A_235, %ge3A : i32
        %convert_element_type3A_327 = arith.extui %ge3A_326 : i1 to i32
        %cond3A_328 = arith.constant 0 : i32
        %cond3A_329 = arith.cmpi ne, %convert_element_type3A_327, %cond3A_328 : i32
        scf.if %cond3A_329 {
          %sub3A_336 = arith.constant 8 : i32
          %sub3A_337 = arith.subi %sub3A_235, %sub3A_336 : i32
          %add3A_338 = arith.addi %mul3A_4, %sub3A_337 : i32
          %mul3A_339 = arith.constant 128 : i32
          %mul3A_340 = arith.muli %add3A_338, %mul3A_339 : i32
          %dma_wait3A_341 = arith.constant 0 : i32
          %dma_wait3A_342 = tpu.memref_slice %arg4[%mul3A_340, %dma_wait3A_341] : memref<425984x64xf32, #tpu.memory_space<hbm>> -> memref<128x64xf32, #tpu.memory_space<hbm>>
          %dma_wait3A_343 = arith.constant 0 : i32
          %dma_wait3A_344 = tpu.memref_slice %arg4[%mul3A_340, %dma_wait3A_343] : memref<425984x64xf32, #tpu.memory_space<hbm>> -> memref<128x64xf32, #tpu.memory_space<hbm>>
          tpu.wait_dma2 semaphore(%arg25 : memref<!tpu.dma_semaphore, #tpu.memory_space<semaphore_mem>>) src(%arg9 : memref<128x64xf32, #tpu.memory_space<vmem>>) dst(%dma_wait3A_344 : memref<128x64xf32, #tpu.memory_space<hbm>>)
        } else {
        }
        %dma_start3A_330 = arith.constant 0 : i32
        %dma_start3A_331 = tpu.memref_slice %arg5[%sub3A_235, %dma_start3A_330] : memref<104x128xi32, #tpu.memory_space<vmem>> -> memref<1x128xi32, #tpu.memory_space<vmem>>
        %dma_start3A_332 = tpu.memref_squeeze %dma_start3A_331 : memref<1x128xi32, #tpu.memory_space<vmem>> -> memref<128xi32, #tpu.memory_space<vmem>>
        %dma_start3A_333 = arith.constant 0 : i32
        %dma_start3A_334 = arith.constant 0 : i32
        %dma_start3A_335 = tpu.memref_slice %arg2[%dma_start3A_333, %dma_start3A_334] : memref<1000000x64xf32, #tpu.memory_space<hbm>> -> memref<1000000x64xf32, #tpu.memory_space<hbm>>
        tpu.enqueue_indirect_dma source(%dma_start3A_335 : memref<1000000x64xf32, #tpu.memory_space<hbm>>) target(%arg9 : memref<128x64xf32, #tpu.memory_space<vmem>>) offsets(%dma_start3A_332 : memref<128xi32, #tpu.memory_space<vmem>>) semaphore(%arg17 : memref<!tpu.dma_semaphore, #tpu.memory_space<semaphore_mem>>)
      } else {
      }
      %add3A_241 = arith.addi %mul3A_4, %add3A_225 : i32
      %mul3A_242 = arith.constant 128 : i32
      %mul3A_243 = arith.muli %add3A_241, %mul3A_242 : i32
      %dma_start3A_244 = arith.constant 0 : i32
      %dma_start3A_245 = tpu.memref_slice %arg4[%mul3A_243, %dma_start3A_244] : memref<425984x64xf32, #tpu.memory_space<hbm>> -> memref<128x64xf32, #tpu.memory_space<hbm>>
      %dma_start3A_246 = arith.constant 0 : i32
      %dma_start3A_247 = tpu.memref_slice %arg4[%mul3A_243, %dma_start3A_246] : memref<425984x64xf32, #tpu.memory_space<hbm>> -> memref<128x64xf32, #tpu.memory_space<hbm>>
      tpu.enqueue_dma source(%arg10 : memref<128x64xf32, #tpu.memory_space<vmem>>) target(%dma_start3A_247 : memref<128x64xf32, #tpu.memory_space<hbm>>) target_semaphore(%arg26 : memref<!tpu.dma_semaphore, #tpu.memory_space<semaphore_mem>>)
      %mul3A_248 = arith.constant 8 : i32
      %mul3A_249 = arith.muli %mul3A_248, %scan3A_121 : i32
      %add3A_250 = arith.constant 5 : i32
      %add3A_251 = arith.addi %mul3A_249, %add3A_250 : i32
      %dma_wait3A_252 = arith.constant 0 : i32
      %dma_wait3A_253 = tpu.memref_slice %arg5[%add3A_251, %dma_wait3A_252] : memref<104x128xi32, #tpu.memory_space<vmem>> -> memref<1x128xi32, #tpu.memory_space<vmem>>
      %dma_wait3A_254 = tpu.memref_squeeze %dma_wait3A_253 : memref<1x128xi32, #tpu.memory_space<vmem>> -> memref<128xi32, #tpu.memory_space<vmem>>
      %dma_wait3A_255 = arith.constant 0 : i32
      %dma_wait3A_256 = arith.constant 0 : i32
      %dma_wait3A_257 = tpu.memref_slice %arg2[%dma_wait3A_255, %dma_wait3A_256] : memref<1000000x64xf32, #tpu.memory_space<hbm>> -> memref<1000000x64xf32, #tpu.memory_space<hbm>>
      tpu.wait_indirect_dma semaphore(%arg19 : memref<!tpu.dma_semaphore, #tpu.memory_space<semaphore_mem>>) src(%dma_wait3A_257 : memref<1000000x64xf32, #tpu.memory_space<hbm>>) dst(%arg11 : memref<128x64xf32, #tpu.memory_space<vmem>>)
      %add3A_258 = arith.constant 8 : i32
      %add3A_259 = arith.addi %add3A_251, %add3A_258 : i32
      %sub3A_260 = arith.constant 1 : i32
      %sub3A_261 = arith.subi %add3A_259, %sub3A_260 : i32
      %lt3A_262 = arith.constant 104 : i32
      %lt3A_263 = arith.cmpi slt, %sub3A_261, %lt3A_262 : i32
      %convert_element_type3A_264 = arith.extui %lt3A_263 : i1 to i32
      %cond3A_265 = arith.constant 0 : i32
      %cond3A_266 = arith.cmpi ne, %convert_element_type3A_264, %cond3A_265 : i32
      scf.if %cond3A_266 {
        %ge3A = arith.constant 8 : i32
        %ge3A_326 = arith.cmpi sge, %sub3A_261, %ge3A : i32
        %convert_element_type3A_327 = arith.extui %ge3A_326 : i1 to i32
        %cond3A_328 = arith.constant 0 : i32
        %cond3A_329 = arith.cmpi ne, %convert_element_type3A_327, %cond3A_328 : i32
        scf.if %cond3A_329 {
          %sub3A_336 = arith.constant 8 : i32
          %sub3A_337 = arith.subi %sub3A_261, %sub3A_336 : i32
          %add3A_338 = arith.addi %mul3A_4, %sub3A_337 : i32
          %mul3A_339 = arith.constant 128 : i32
          %mul3A_340 = arith.muli %add3A_338, %mul3A_339 : i32
          %dma_wait3A_341 = arith.constant 0 : i32
          %dma_wait3A_342 = tpu.memref_slice %arg4[%mul3A_340, %dma_wait3A_341] : memref<425984x64xf32, #tpu.memory_space<hbm>> -> memref<128x64xf32, #tpu.memory_space<hbm>>
          %dma_wait3A_343 = arith.constant 0 : i32
          %dma_wait3A_344 = tpu.memref_slice %arg4[%mul3A_340, %dma_wait3A_343] : memref<425984x64xf32, #tpu.memory_space<hbm>> -> memref<128x64xf32, #tpu.memory_space<hbm>>
          tpu.wait_dma2 semaphore(%arg26 : memref<!tpu.dma_semaphore, #tpu.memory_space<semaphore_mem>>) src(%arg10 : memref<128x64xf32, #tpu.memory_space<vmem>>) dst(%dma_wait3A_344 : memref<128x64xf32, #tpu.memory_space<hbm>>)
        } else {
        }
        %dma_start3A_330 = arith.constant 0 : i32
        %dma_start3A_331 = tpu.memref_slice %arg5[%sub3A_261, %dma_start3A_330] : memref<104x128xi32, #tpu.memory_space<vmem>> -> memref<1x128xi32, #tpu.memory_space<vmem>>
        %dma_start3A_332 = tpu.memref_squeeze %dma_start3A_331 : memref<1x128xi32, #tpu.memory_space<vmem>> -> memref<128xi32, #tpu.memory_space<vmem>>
        %dma_start3A_333 = arith.constant 0 : i32
        %dma_start3A_334 = arith.constant 0 : i32
        %dma_start3A_335 = tpu.memref_slice %arg2[%dma_start3A_333, %dma_start3A_334] : memref<1000000x64xf32, #tpu.memory_space<hbm>> -> memref<1000000x64xf32, #tpu.memory_space<hbm>>
        tpu.enqueue_indirect_dma source(%dma_start3A_335 : memref<1000000x64xf32, #tpu.memory_space<hbm>>) target(%arg10 : memref<128x64xf32, #tpu.memory_space<vmem>>) offsets(%dma_start3A_332 : memref<128xi32, #tpu.memory_space<vmem>>) semaphore(%arg18 : memref<!tpu.dma_semaphore, #tpu.memory_space<semaphore_mem>>)
      } else {
      }
      %add3A_267 = arith.addi %mul3A_4, %add3A_251 : i32
      %mul3A_268 = arith.constant 128 : i32
      %mul3A_269 = arith.muli %add3A_267, %mul3A_268 : i32
      %dma_start3A_270 = arith.constant 0 : i32
      %dma_start3A_271 = tpu.memref_slice %arg4[%mul3A_269, %dma_start3A_270] : memref<425984x64xf32, #tpu.memory_space<hbm>> -> memref<128x64xf32, #tpu.memory_space<hbm>>
      %dma_start3A_272 = arith.constant 0 : i32
      %dma_start3A_273 = tpu.memref_slice %arg4[%mul3A_269, %dma_start3A_272] : memref<425984x64xf32, #tpu.memory_space<hbm>> -> memref<128x64xf32, #tpu.memory_space<hbm>>
      tpu.enqueue_dma source(%arg11 : memref<128x64xf32, #tpu.memory_space<vmem>>) target(%dma_start3A_273 : memref<128x64xf32, #tpu.memory_space<hbm>>) target_semaphore(%arg27 : memref<!tpu.dma_semaphore, #tpu.memory_space<semaphore_mem>>)
      %mul3A_274 = arith.constant 8 : i32
      %mul3A_275 = arith.muli %mul3A_274, %scan3A_121 : i32
      %add3A_276 = arith.constant 6 : i32
      %add3A_277 = arith.addi %mul3A_275, %add3A_276 : i32
      %dma_wait3A_278 = arith.constant 0 : i32
      %dma_wait3A_279 = tpu.memref_slice %arg5[%add3A_277, %dma_wait3A_278] : memref<104x128xi32, #tpu.memory_space<vmem>> -> memref<1x128xi32, #tpu.memory_space<vmem>>
      %dma_wait3A_280 = tpu.memref_squeeze %dma_wait3A_279 : memref<1x128xi32, #tpu.memory_space<vmem>> -> memref<128xi32, #tpu.memory_space<vmem>>
      %dma_wait3A_281 = arith.constant 0 : i32
      %dma_wait3A_282 = arith.constant 0 : i32
      %dma_wait3A_283 = tpu.memref_slice %arg2[%dma_wait3A_281, %dma_wait3A_282] : memref<1000000x64xf32, #tpu.memory_space<hbm>> -> memref<1000000x64xf32, #tpu.memory_space<hbm>>
      tpu.wait_indirect_dma semaphore(%arg20 : memref<!tpu.dma_semaphore, #tpu.memory_space<semaphore_mem>>) src(%dma_wait3A_283 : memref<1000000x64xf32, #tpu.memory_space<hbm>>) dst(%arg12 : memref<128x64xf32, #tpu.memory_space<vmem>>)
      %add3A_284 = arith.constant 8 : i32
      %add3A_285 = arith.addi %add3A_277, %add3A_284 : i32
      %sub3A_286 = arith.constant 1 : i32
      %sub3A_287 = arith.subi %add3A_285, %sub3A_286 : i32
      %lt3A_288 = arith.constant 104 : i32
      %lt3A_289 = arith.cmpi slt, %sub3A_287, %lt3A_288 : i32
      %convert_element_type3A_290 = arith.extui %lt3A_289 : i1 to i32
      %cond3A_291 = arith.constant 0 : i32
      %cond3A_292 = arith.cmpi ne, %convert_element_type3A_290, %cond3A_291 : i32
      scf.if %cond3A_292 {
        %ge3A = arith.constant 8 : i32
        %ge3A_326 = arith.cmpi sge, %sub3A_287, %ge3A : i32
        %convert_element_type3A_327 = arith.extui %ge3A_326 : i1 to i32
        %cond3A_328 = arith.constant 0 : i32
        %cond3A_329 = arith.cmpi ne, %convert_element_type3A_327, %cond3A_328 : i32
        scf.if %cond3A_329 {
          %sub3A_336 = arith.constant 8 : i32
          %sub3A_337 = arith.subi %sub3A_287, %sub3A_336 : i32
          %add3A_338 = arith.addi %mul3A_4, %sub3A_337 : i32
          %mul3A_339 = arith.constant 128 : i32
          %mul3A_340 = arith.muli %add3A_338, %mul3A_339 : i32
          %dma_wait3A_341 = arith.constant 0 : i32
          %dma_wait3A_342 = tpu.memref_slice %arg4[%mul3A_340, %dma_wait3A_341] : memref<425984x64xf32, #tpu.memory_space<hbm>> -> memref<128x64xf32, #tpu.memory_space<hbm>>
          %dma_wait3A_343 = arith.constant 0 : i32
          %dma_wait3A_344 = tpu.memref_slice %arg4[%mul3A_340, %dma_wait3A_343] : memref<425984x64xf32, #tpu.memory_space<hbm>> -> memref<128x64xf32, #tpu.memory_space<hbm>>
          tpu.wait_dma2 semaphore(%arg27 : memref<!tpu.dma_semaphore, #tpu.memory_space<semaphore_mem>>) src(%arg11 : memref<128x64xf32, #tpu.memory_space<vmem>>) dst(%dma_wait3A_344 : memref<128x64xf32, #tpu.memory_space<hbm>>)
        } else {
        }
        %dma_start3A_330 = arith.constant 0 : i32
        %dma_start3A_331 = tpu.memref_slice %arg5[%sub3A_287, %dma_start3A_330] : memref<104x128xi32, #tpu.memory_space<vmem>> -> memref<1x128xi32, #tpu.memory_space<vmem>>
        %dma_start3A_332 = tpu.memref_squeeze %dma_start3A_331 : memref<1x128xi32, #tpu.memory_space<vmem>> -> memref<128xi32, #tpu.memory_space<vmem>>
        %dma_start3A_333 = arith.constant 0 : i32
        %dma_start3A_334 = arith.constant 0 : i32
        %dma_start3A_335 = tpu.memref_slice %arg2[%dma_start3A_333, %dma_start3A_334] : memref<1000000x64xf32, #tpu.memory_space<hbm>> -> memref<1000000x64xf32, #tpu.memory_space<hbm>>
        tpu.enqueue_indirect_dma source(%dma_start3A_335 : memref<1000000x64xf32, #tpu.memory_space<hbm>>) target(%arg11 : memref<128x64xf32, #tpu.memory_space<vmem>>) offsets(%dma_start3A_332 : memref<128xi32, #tpu.memory_space<vmem>>) semaphore(%arg19 : memref<!tpu.dma_semaphore, #tpu.memory_space<semaphore_mem>>)
      } else {
      }
      %add3A_293 = arith.addi %mul3A_4, %add3A_277 : i32
      %mul3A_294 = arith.constant 128 : i32
      %mul3A_295 = arith.muli %add3A_293, %mul3A_294 : i32
      %dma_start3A_296 = arith.constant 0 : i32
      %dma_start3A_297 = tpu.memref_slice %arg4[%mul3A_295, %dma_start3A_296] : memref<425984x64xf32, #tpu.memory_space<hbm>> -> memref<128x64xf32, #tpu.memory_space<hbm>>
      %dma_start3A_298 = arith.constant 0 : i32
      %dma_start3A_299 = tpu.memref_slice %arg4[%mul3A_295, %dma_start3A_298] : memref<425984x64xf32, #tpu.memory_space<hbm>> -> memref<128x64xf32, #tpu.memory_space<hbm>>
      tpu.enqueue_dma source(%arg12 : memref<128x64xf32, #tpu.memory_space<vmem>>) target(%dma_start3A_299 : memref<128x64xf32, #tpu.memory_space<hbm>>) target_semaphore(%arg28 : memref<!tpu.dma_semaphore, #tpu.memory_space<semaphore_mem>>)
      %mul3A_300 = arith.constant 8 : i32
      %mul3A_301 = arith.muli %mul3A_300, %scan3A_121 : i32
      %add3A_302 = arith.constant 7 : i32
      %add3A_303 = arith.addi %mul3A_301, %add3A_302 : i32
      %dma_wait3A_304 = arith.constant 0 : i32
      %dma_wait3A_305 = tpu.memref_slice %arg5[%add3A_303, %dma_wait3A_304] : memref<104x128xi32, #tpu.memory_space<vmem>> -> memref<1x128xi32, #tpu.memory_space<vmem>>
      %dma_wait3A_306 = tpu.memref_squeeze %dma_wait3A_305 : memref<1x128xi32, #tpu.memory_space<vmem>> -> memref<128xi32, #tpu.memory_space<vmem>>
      %dma_wait3A_307 = arith.constant 0 : i32
      %dma_wait3A_308 = arith.constant 0 : i32
      %dma_wait3A_309 = tpu.memref_slice %arg2[%dma_wait3A_307, %dma_wait3A_308] : memref<1000000x64xf32, #tpu.memory_space<hbm>> -> memref<1000000x64xf32, #tpu.memory_space<hbm>>
      tpu.wait_indirect_dma semaphore(%arg21 : memref<!tpu.dma_semaphore, #tpu.memory_space<semaphore_mem>>) src(%dma_wait3A_309 : memref<1000000x64xf32, #tpu.memory_space<hbm>>) dst(%arg13 : memref<128x64xf32, #tpu.memory_space<vmem>>)
      %add3A_310 = arith.constant 8 : i32
      %add3A_311 = arith.addi %add3A_303, %add3A_310 : i32
      %sub3A_312 = arith.constant 1 : i32
      %sub3A_313 = arith.subi %add3A_311, %sub3A_312 : i32
      %lt3A_314 = arith.constant 104 : i32
      %lt3A_315 = arith.cmpi slt, %sub3A_313, %lt3A_314 : i32
      %convert_element_type3A_316 = arith.extui %lt3A_315 : i1 to i32
      %cond3A_317 = arith.constant 0 : i32
      %cond3A_318 = arith.cmpi ne, %convert_element_type3A_316, %cond3A_317 : i32
      scf.if %cond3A_318 {
        %ge3A = arith.constant 8 : i32
        %ge3A_326 = arith.cmpi sge, %sub3A_313, %ge3A : i32
        %convert_element_type3A_327 = arith.extui %ge3A_326 : i1 to i32
        %cond3A_328 = arith.constant 0 : i32
        %cond3A_329 = arith.cmpi ne, %convert_element_type3A_327, %cond3A_328 : i32
        scf.if %cond3A_329 {
          %sub3A_336 = arith.constant 8 : i32
          %sub3A_337 = arith.subi %sub3A_313, %sub3A_336 : i32
          %add3A_338 = arith.addi %mul3A_4, %sub3A_337 : i32
          %mul3A_339 = arith.constant 128 : i32
          %mul3A_340 = arith.muli %add3A_338, %mul3A_339 : i32
          %dma_wait3A_341 = arith.constant 0 : i32
          %dma_wait3A_342 = tpu.memref_slice %arg4[%mul3A_340, %dma_wait3A_341] : memref<425984x64xf32, #tpu.memory_space<hbm>> -> memref<128x64xf32, #tpu.memory_space<hbm>>
          %dma_wait3A_343 = arith.constant 0 : i32
          %dma_wait3A_344 = tpu.memref_slice %arg4[%mul3A_340, %dma_wait3A_343] : memref<425984x64xf32, #tpu.memory_space<hbm>> -> memref<128x64xf32, #tpu.memory_space<hbm>>
          tpu.wait_dma2 semaphore(%arg28 : memref<!tpu.dma_semaphore, #tpu.memory_space<semaphore_mem>>) src(%arg12 : memref<128x64xf32, #tpu.memory_space<vmem>>) dst(%dma_wait3A_344 : memref<128x64xf32, #tpu.memory_space<hbm>>)
        } else {
        }
        %dma_start3A_330 = arith.constant 0 : i32
        %dma_start3A_331 = tpu.memref_slice %arg5[%sub3A_313, %dma_start3A_330] : memref<104x128xi32, #tpu.memory_space<vmem>> -> memref<1x128xi32, #tpu.memory_space<vmem>>
        %dma_start3A_332 = tpu.memref_squeeze %dma_start3A_331 : memref<1x128xi32, #tpu.memory_space<vmem>> -> memref<128xi32, #tpu.memory_space<vmem>>
        %dma_start3A_333 = arith.constant 0 : i32
        %dma_start3A_334 = arith.constant 0 : i32
        %dma_start3A_335 = tpu.memref_slice %arg2[%dma_start3A_333, %dma_start3A_334] : memref<1000000x64xf32, #tpu.memory_space<hbm>> -> memref<1000000x64xf32, #tpu.memory_space<hbm>>
        tpu.enqueue_indirect_dma source(%dma_start3A_335 : memref<1000000x64xf32, #tpu.memory_space<hbm>>) target(%arg12 : memref<128x64xf32, #tpu.memory_space<vmem>>) offsets(%dma_start3A_332 : memref<128xi32, #tpu.memory_space<vmem>>) semaphore(%arg20 : memref<!tpu.dma_semaphore, #tpu.memory_space<semaphore_mem>>)
      } else {
      }
      %add3A_319 = arith.addi %mul3A_4, %add3A_303 : i32
      %mul3A_320 = arith.constant 128 : i32
      %mul3A_321 = arith.muli %add3A_319, %mul3A_320 : i32
      %dma_start3A_322 = arith.constant 0 : i32
      %dma_start3A_323 = tpu.memref_slice %arg4[%mul3A_321, %dma_start3A_322] : memref<425984x64xf32, #tpu.memory_space<hbm>> -> memref<128x64xf32, #tpu.memory_space<hbm>>
      %dma_start3A_324 = arith.constant 0 : i32
      %dma_start3A_325 = tpu.memref_slice %arg4[%mul3A_321, %dma_start3A_324] : memref<425984x64xf32, #tpu.memory_space<hbm>> -> memref<128x64xf32, #tpu.memory_space<hbm>>
      tpu.enqueue_dma source(%arg13 : memref<128x64xf32, #tpu.memory_space<vmem>>) target(%dma_start3A_325 : memref<128x64xf32, #tpu.memory_space<hbm>>) target_semaphore(%arg29 : memref<!tpu.dma_semaphore, #tpu.memory_space<semaphore_mem>>)
    }
    %scan3A_57 = arith.constant 13 : i32
    %add3A_58 = arith.constant 96 : i32
    %add3A_59 = arith.addi %mul3A_4, %add3A_58 : i32
    %mul3A_60 = arith.constant 128 : i32
    %mul3A_61 = arith.muli %add3A_59, %mul3A_60 : i32
    %dma_wait3A = arith.constant 0 : i32
    %dma_wait3A_62 = tpu.memref_slice %arg4[%mul3A_61, %dma_wait3A] : memref<425984x64xf32, #tpu.memory_space<hbm>> -> memref<128x64xf32, #tpu.memory_space<hbm>>
    %dma_wait3A_63 = arith.constant 0 : i32
    %dma_wait3A_64 = tpu.memref_slice %arg4[%mul3A_61, %dma_wait3A_63] : memref<425984x64xf32, #tpu.memory_space<hbm>> -> memref<128x64xf32, #tpu.memory_space<hbm>>
    tpu.wait_dma2 semaphore(%arg22 : memref<!tpu.dma_semaphore, #tpu.memory_space<semaphore_mem>>) src(%arg6 : memref<128x64xf32, #tpu.memory_space<vmem>>) dst(%dma_wait3A_64 : memref<128x64xf32, #tpu.memory_space<hbm>>)
    %add3A_65 = arith.constant 97 : i32
    %add3A_66 = arith.addi %mul3A_4, %add3A_65 : i32
    %mul3A_67 = arith.constant 128 : i32
    %mul3A_68 = arith.muli %add3A_66, %mul3A_67 : i32
    %dma_wait3A_69 = arith.constant 0 : i32
    %dma_wait3A_70 = tpu.memref_slice %arg4[%mul3A_68, %dma_wait3A_69] : memref<425984x64xf32, #tpu.memory_space<hbm>> -> memref<128x64xf32, #tpu.memory_space<hbm>>
    %dma_wait3A_71 = arith.constant 0 : i32
    %dma_wait3A_72 = tpu.memref_slice %arg4[%mul3A_68, %dma_wait3A_71] : memref<425984x64xf32, #tpu.memory_space<hbm>> -> memref<128x64xf32, #tpu.memory_space<hbm>>
    tpu.wait_dma2 semaphore(%arg23 : memref<!tpu.dma_semaphore, #tpu.memory_space<semaphore_mem>>) src(%arg7 : memref<128x64xf32, #tpu.memory_space<vmem>>) dst(%dma_wait3A_72 : memref<128x64xf32, #tpu.memory_space<hbm>>)
    %add3A_73 = arith.constant 98 : i32
    %add3A_74 = arith.addi %mul3A_4, %add3A_73 : i32
    %mul3A_75 = arith.constant 128 : i32
    %mul3A_76 = arith.muli %add3A_74, %mul3A_75 : i32
    %dma_wait3A_77 = arith.constant 0 : i32
    %dma_wait3A_78 = tpu.memref_slice %arg4[%mul3A_76, %dma_wait3A_77] : memref<425984x64xf32, #tpu.memory_space<hbm>> -> memref<128x64xf32, #tpu.memory_space<hbm>>
    %dma_wait3A_79 = arith.constant 0 : i32
    %dma_wait3A_80 = tpu.memref_slice %arg4[%mul3A_76, %dma_wait3A_79] : memref<425984x64xf32, #tpu.memory_space<hbm>> -> memref<128x64xf32, #tpu.memory_space<hbm>>
    tpu.wait_dma2 semaphore(%arg24 : memref<!tpu.dma_semaphore, #tpu.memory_space<semaphore_mem>>) src(%arg8 : memref<128x64xf32, #tpu.memory_space<vmem>>) dst(%dma_wait3A_80 : memref<128x64xf32, #tpu.memory_space<hbm>>)
    %add3A_81 = arith.constant 99 : i32
    %add3A_82 = arith.addi %mul3A_4, %add3A_81 : i32
    %mul3A_83 = arith.constant 128 : i32
    %mul3A_84 = arith.muli %add3A_82, %mul3A_83 : i32
    %dma_wait3A_85 = arith.constant 0 : i32
    %dma_wait3A_86 = tpu.memref_slice %arg4[%mul3A_84, %dma_wait3A_85] : memref<425984x64xf32, #tpu.memory_space<hbm>> -> memref<128x64xf32, #tpu.memory_space<hbm>>
    %dma_wait3A_87 = arith.constant 0 : i32
    %dma_wait3A_88 = tpu.memref_slice %arg4[%mul3A_84, %dma_wait3A_87] : memref<425984x64xf32, #tpu.memory_space<hbm>> -> memref<128x64xf32, #tpu.memory_space<hbm>>
    tpu.wait_dma2 semaphore(%arg25 : memref<!tpu.dma_semaphore, #tpu.memory_space<semaphore_mem>>) src(%arg9 : memref<128x64xf32, #tpu.memory_space<vmem>>) dst(%dma_wait3A_88 : memref<128x64xf32, #tpu.memory_space<hbm>>)
    %add3A_89 = arith.constant 100 : i32
    %add3A_90 = arith.addi %mul3A_4, %add3A_89 : i32
    %mul3A_91 = arith.constant 128 : i32
    %mul3A_92 = arith.muli %add3A_90, %mul3A_91 : i32
    %dma_wait3A_93 = arith.constant 0 : i32
    %dma_wait3A_94 = tpu.memref_slice %arg4[%mul3A_92, %dma_wait3A_93] : memref<425984x64xf32, #tpu.memory_space<hbm>> -> memref<128x64xf32, #tpu.memory_space<hbm>>
    %dma_wait3A_95 = arith.constant 0 : i32
    %dma_wait3A_96 = tpu.memref_slice %arg4[%mul3A_92, %dma_wait3A_95] : memref<425984x64xf32, #tpu.memory_space<hbm>> -> memref<128x64xf32, #tpu.memory_space<hbm>>
    tpu.wait_dma2 semaphore(%arg26 : memref<!tpu.dma_semaphore, #tpu.memory_space<semaphore_mem>>) src(%arg10 : memref<128x64xf32, #tpu.memory_space<vmem>>) dst(%dma_wait3A_96 : memref<128x64xf32, #tpu.memory_space<hbm>>)
    %add3A_97 = arith.constant 101 : i32
    %add3A_98 = arith.addi %mul3A_4, %add3A_97 : i32
    %mul3A_99 = arith.constant 128 : i32
    %mul3A_100 = arith.muli %add3A_98, %mul3A_99 : i32
    %dma_wait3A_101 = arith.constant 0 : i32
    %dma_wait3A_102 = tpu.memref_slice %arg4[%mul3A_100, %dma_wait3A_101] : memref<425984x64xf32, #tpu.memory_space<hbm>> -> memref<128x64xf32, #tpu.memory_space<hbm>>
    %dma_wait3A_103 = arith.constant 0 : i32
    %dma_wait3A_104 = tpu.memref_slice %arg4[%mul3A_100, %dma_wait3A_103] : memref<425984x64xf32, #tpu.memory_space<hbm>> -> memref<128x64xf32, #tpu.memory_space<hbm>>
    tpu.wait_dma2 semaphore(%arg27 : memref<!tpu.dma_semaphore, #tpu.memory_space<semaphore_mem>>) src(%arg11 : memref<128x64xf32, #tpu.memory_space<vmem>>) dst(%dma_wait3A_104 : memref<128x64xf32, #tpu.memory_space<hbm>>)
    %add3A_105 = arith.constant 102 : i32
    %add3A_106 = arith.addi %mul3A_4, %add3A_105 : i32
    %mul3A_107 = arith.constant 128 : i32
    %mul3A_108 = arith.muli %add3A_106, %mul3A_107 : i32
    %dma_wait3A_109 = arith.constant 0 : i32
    %dma_wait3A_110 = tpu.memref_slice %arg4[%mul3A_108, %dma_wait3A_109] : memref<425984x64xf32, #tpu.memory_space<hbm>> -> memref<128x64xf32, #tpu.memory_space<hbm>>
    %dma_wait3A_111 = arith.constant 0 : i32
    %dma_wait3A_112 = tpu.memref_slice %arg4[%mul3A_108, %dma_wait3A_111] : memref<425984x64xf32, #tpu.memory_space<hbm>> -> memref<128x64xf32, #tpu.memory_space<hbm>>
    tpu.wait_dma2 semaphore(%arg28 : memref<!tpu.dma_semaphore, #tpu.memory_space<semaphore_mem>>) src(%arg12 : memref<128x64xf32, #tpu.memory_space<vmem>>) dst(%dma_wait3A_112 : memref<128x64xf32, #tpu.memory_space<hbm>>)
    %add3A_113 = arith.constant 103 : i32
    %add3A_114 = arith.addi %mul3A_4, %add3A_113 : i32
    %mul3A_115 = arith.constant 128 : i32
    %mul3A_116 = arith.muli %add3A_114, %mul3A_115 : i32
    %dma_wait3A_117 = arith.constant 0 : i32
    %dma_wait3A_118 = tpu.memref_slice %arg4[%mul3A_116, %dma_wait3A_117] : memref<425984x64xf32, #tpu.memory_space<hbm>> -> memref<128x64xf32, #tpu.memory_space<hbm>>
    %dma_wait3A_119 = arith.constant 0 : i32
    %dma_wait3A_120 = tpu.memref_slice %arg4[%mul3A_116, %dma_wait3A_119] : memref<425984x64xf32, #tpu.memory_space<hbm>> -> memref<128x64xf32, #tpu.memory_space<hbm>>
    tpu.wait_dma2 semaphore(%arg29 : memref<!tpu.dma_semaphore, #tpu.memory_space<semaphore_mem>>) src(%arg13 : memref<128x64xf32, #tpu.memory_space<vmem>>) dst(%dma_wait3A_120 : memref<128x64xf32, #tpu.memory_space<hbm>>)
    return
  }
}

</mosaic_0001>

<sc_bundles>
// kernel: _gather.3.cloned.1.call-start
scs
__scs_entry_jumppad:
0x0: {  	(pc) =	sbr.rel $0x88, $3  }
0x1: {  	(tag) =	ssettag $0x0;
	lr =	simm.s32 $0x1  }
0x2: {  	[smem:$0x3F9F] =	sst lr;
	_ =	strace $0xD0000000  }
0x3: {  	_ = 	snop  }
0x4: {  	_ = 	snop  }
0x5: {  	_ = 	snop  }
0x6: {  	_ = 	snop  }
0x7: {  	_ = 	snop  }
__scs_overlays_trampoline_lowered:
0x8: {  	[smem:$0x3FAE] =	sst s0  }
0x9: {  	[smem:$0x3FAF] =	sst s1  }
0xa: {  	[smem:$0x3FB0] =	sst s2  }
0xb: {  	[smem:$0x3FB1] =	sst s3  }
0xc: {  	[smem:$0x3FB2] =	sst s4  }
0xd: {  	[smem:$0x3FB3] =	sst s5  }
0xe: {  	[smem:$0x3FB4] =	sst s6  }
0xf: {  	[smem:$0x3FB5] =	sst s7  }
0x10: {  	[smem:$0x3FB6] =	sst s8  }
0x11: {  	[smem:$0x3FB7] =	sst s9;
	s0 =	simm.s32 @!p0 $0x0  }
0x12: {  	s1 =	sld [smem:$0x3F9D];
	s0 =	simm.s32 @p0 $0x1  }
0x13: {  	[smem:$0x3FB8] =	sst s0;
	s0 =	simm.s32 @!p1 $0x0  }
0x14: {  	s2 =	sld [smem:$0x3F9C];
	s0 =	simm.s32 @p1 $0x1  }
0x15: {  	[smem:$0x3FB9] =	sst s0;
	s0 =	simm.s32 @!p2 $0x0  }
0x16: {  	s3 =	sld [smem:$0x3FDB];
	s0 =	simm.s32 @p2 $0x1  }
0x17: {  	s4 =	simm.s32 $0x1BF5;
	[smem:$0x3FBB] =	sst s0  }
0x18: {  	s0 =	sld [smem:$0x3F9E];
	_ =	swait.ge [sflag:s4], $0x0  }
0x19: {  	s7 =	sld [smem:$0x3F9F]  }
0x1a: {  	s8 =	sadd.s32 $0xFFFFE003, lr  }
0x1b: {  	s9 =	sadd.s32 $0xFFFFFEF7, lr;
	s5 =	simm.s32 $0xFFFFFFFF;
	p2 =	slt.u32 s8, $0xFFFFF086  }
0x1c: {  	p1 =	slt.u32 s9, $0xF7A;
	s5 =	simm.s32 @!p2 $0x0  }
0x1d: {  	s5 =	simm.s32 @p1 $0x1;
	p0 =	seq.s32 s7, s2  }
0x1e: {  	s7 =	smul.u32 @!p0 $0xF7A, s2;
	p2 =	seq.s32 @!p0 s5, $0x0  }
0x1f: {  	s9 =	smul.u32 $0xF7A, s1;
	s8 =	simm.s32 @!p0 $0x1BF5;
	p2 =	por !p2, p0  }
0x20: {  	[sflag:s8] =	ssyncset.s32 @!p0 $0xFFFFF086;
	s6 =	sadd.s32 @!p0 s3, s7;
	s7 =	simm.s32 @!p0 $0x108  }
0x21: {  	s3 =	sadd.s32 s3, s9;
	s6 =	sadd.s32 @!p0 $0x88, s6;
	s7 =	simm.s32 @p2 $0x1082  }
0x22: {  	[simem:s7], [sflag:s8] =	dma.local @!p0 [hbm:s6], $0xF7A  }
0x23: {  	s9 =	sor.u32 $0xD0000000, s2;
	s6 =	simm.s32 $0x108;
	_ =	swait.ge @!p0 [sflag:s8], $0x0  }
0x24: {  	s3 =	sadd.s32 $0x88, s3;
	s6 =	simm.s32 @!p1 $0x1082;
	[sflag:s4] =	ssyncset.s32 $0xFFFFF086  }
0x25: {  	[simem:s6], [sflag:s4] =	dma.local [hbm:s3], $0xF7A  }
0x26: {  	[smem:$0x3F9F] =	sst s1;
	(tag) =	ssettag s2;
	_ =	strace s9  }
0x27: {  	s1 =	sld [smem:$0x3FAF]  }
0x28: {  	s2 =	sld [smem:$0x3FB0]  }
0x29: {  	s4 =	sld [smem:$0x3FB2]  }
0x2a: {  	p0 =	seq.s32 s5, $0x0;
	s5 =	sld [smem:$0x3FB3]  }
0x2b: {  	s6 =	sld [smem:$0x3FB4]  }
0x2c: {  	s7 =	sld [smem:$0x3FB5]  }
0x2d: {  	s3 =	simm.s32 $0x108;
	s8 =	sld [smem:$0x3FB6]  }
0x2e: {  	s3 =	simm.s32 @!p0 $0x1082;
	s9 =	sld [smem:$0x3FB7]  }
0x2f: {  	lr =	sadd.s32 s0, s3;
	s0 =	sld [smem:$0x3FAE]  }
0x30: {  	s3 =	sld [smem:$0x3FB1]  }
0x31: {  	[smem:$0x3FBA] =	sst s10  }
0x32: {  	s10 =	sld [smem:$0x3FB8];
	_ =	sdelay $0x3  }
0x33: {  	p0 =	seq.s32 s10, $0x1;
	s10 =	sld [smem:$0x3FBA];
	_ =	sdelay $0x3  }
0x34: {  	[smem:$0x3FBA] =	sst s10  }
0x35: {  	s10 =	sld [smem:$0x3FB9];
	_ =	sdelay $0x3  }
0x36: {  	p1 =	seq.s32 s10, $0x1;
	s10 =	sld [smem:$0x3FBA];
	_ =	sdelay $0x3  }
0x37: {  	[smem:$0x3FBA] =	sst s10  }
0x38: {  	s10 =	sld [smem:$0x3FBB]  }
0x39: {  	_ = 	snop;
	(pc) =	sbr.ind lr, $3  }
0x3a: {  	_ = 	snop  }
0x3b: {  	_ = 	snop  }
0x3c: {  	p2 =	seq.s32 s10, $0x1;
	s10 =	sld [smem:$0x3FBA]  }
0x3d: {  	_ =	shalt  }
0x3e: {  	_ =	shalt  }
0x3f: {  	_ =	shalt  }
0x40: {  	_ =	shalt  }
0x41: {  	_ =	shalt  }
0x42: {  	_ =	shalt  }
0x43: {  	_ =	shalt  }
0x44: {  	_ =	shalt  }
0x45: {  	_ =	shalt  }
0x46: {  	_ =	shalt  }
0x47: {  	_ =	shalt  }
0x48: {  	_ =	shalt  }
0x49: {  	_ =	shalt  }
0x4a: {  	_ =	shalt  }
0x4b: {  	_ =	shalt  }
0x4c: {  	_ =	shalt  }
0x4d: {  	_ =	shalt  }
0x4e: {  	_ =	shalt  }
0x4f: {  	_ =	shalt  }
0x50: {  	_ =	shalt  }
0x51: {  	_ =	shalt  }
0x52: {  	_ =	shalt  }
0x53: {  	_ =	shalt  }
0x54: {  	_ =	shalt  }
0x55: {  	_ =	shalt  }
0x56: {  	_ =	shalt  }
0x57: {  	_ =	shalt  }
0x58: {  	_ =	shalt  }
0x59: {  	_ =	shalt  }
0x5a: {  	_ =	shalt  }
0x5b: {  	_ =	shalt  }
0x5c: {  	_ =	shalt  }
0x5d: {  	_ =	shalt  }
0x5e: {  	_ =	shalt  }
0x5f: {  	_ =	shalt  }
0x60: {  	_ =	shalt  }
0x61: {  	_ =	shalt  }
0x62: {  	_ =	shalt  }
0x63: {  	_ =	shalt  }
0x64: {  	_ =	shalt  }
0x65: {  	_ =	shalt  }
0x66: {  	_ =	shalt  }
0x67: {  	_ =	shalt  }
0x68: {  	_ =	shalt  }
0x69: {  	_ =	shalt  }
0x6a: {  	_ =	shalt  }
0x6b: {  	_ =	shalt  }
0x6c: {  	_ =	shalt  }
0x6d: {  	_ =	shalt  }
0x6e: {  	_ =	shalt  }
0x6f: {  	_ =	shalt  }
0x70: {  	_ =	shalt  }
0x71: {  	_ =	shalt  }
0x72: {  	_ =	shalt  }
0x73: {  	_ =	shalt  }
0x74: {  	_ =	shalt  }
0x75: {  	_ =	shalt  }
0x76: {  	_ =	shalt  }
0x77: {  	_ =	shalt  }
0x78: {  	_ =	shalt  }
0x79: {  	_ =	shalt  }
0x7a: {  	_ =	shalt  }
0x7b: {  	_ =	shalt  }
0x7c: {  	_ =	shalt  }
0x7d: {  	_ =	shalt  }
0x7e: {  	_ =	shalt  }
0x7f: {  	_ =	shalt  }
0x80: {  	_ =	shalt  }
0x81: {  	_ =	shalt  }
0x82: {  	_ =	shalt  }
0x83: {  	_ =	shalt  }
0x84: {  	_ =	shalt  }
0x85: {  	_ =	shalt  }
0x86: {  	_ =	shalt  }
0x87: {  	_ =	shalt  }
.Lfunc_end0:
.L_simem_size_0:
called_computation.1_lowered:
.L_overlay_start_0:
0x88: {  	s2 =	sld [smem:$0x3FD9]  }
0x89: {  	s3 =	sld [smem:$0x3FFE];
	_ =	sdelay $0x1  }
0x8a: {  	s1 =	srdreg.scid  }
0x8b: {  	s0 =	sand.u32 $0x1, s1  }
0x8c: {  	s17 =	sshll.u32 s0, $0xA;
	s2 =	sadd.s32 s3, s2  }
0x8d: {  	s2 =	sadd.s32 s2, s17  }
0x8e: {  	[smem:$0x3FC6] =	sst s2  }
0x8f: {  	_ = 	snop  }
0x90: {  	s2 =	sld [smem:$0x3FC9]  }
0x91: {  	s18 =	sld [smem:$0x3FD0];
	(tm) =	ssettm $0x1  }
0x92: {  	s4 =	sld [smem:$0x3FFB];
	_ =	sdelay $0x3  }
0x93: {  	_ =	strace s4  }
0x94: {  	s4 =	sld [smem:$0x3FFC];
	_ =	sdelay $0x3  }
0x95: {  	_ =	strace s4  }
0x96: {  	s4 =	sld [smem:$0x3FFD];
	_ =	sdelay $0x3  }
0x97: {  	_ =	strace s4  }
0x98: {  	_ =	strace $0x8FFFFFFF  }
0x99: {  	s19 =	sld [smem:$0x3FDB];
	_ =	sdelay $0x1  }
0x9a: {  	s5 =	simm.s32 $_scs_section_size  }
0x9b: {  	s6 =	simm.s32 $_size__tile_overlayer_lowered;
	s7 =	simm.s32 $_tile_overlayer_lowered  }
0x9c: {  	s22 =	simm.s32 $0x1BFF;
	s21 =	sshll.u32 s7, $0x1;
	s4 =	sadd.s32 s5, s19  }
0x9d: {  	s8 =	simm.s32 $0x0;
	s20 =	sshll.u32 s6, $0x1;
	s6 =	sadd.s32 s21, s4  }
0x9e: {  	[timem:s8], [sflag:s22] =	dma.local [hbm:s6], s20  }
0x9f: {  	_ =	swait.ge [sflag:s22], s20  }
0xa0: {  	s5 =	ssub.s32 $0x0, s20;
	[sflag:s22] =	ssyncset.done $0x0  }
0xa1: {  	[sflag:s22] =	ssyncadd.s32 s5;
	_ =	sdelay $0x1  }
0xa2: {  	s23 =	simm.s32 $0x1B8B  }
0xa3: {  	_ =	swait.ge [sflag:s23], $0x1  }
0xa4: {  	[sflag:s23] =	ssyncset.done $0x0  }
0xa5: {  	s25 =	simm.s32 $0x1B8E;
	s24 =	sld [smem:$0x3FFE];
	[sflag:s23] =	ssyncadd.s32 $0xFFFFFFFF  }
0xa6: {  	s26 =	simm.s32 $execute0_lowered;
	[smem:$0x3FD2] =	sst s25  }
0xa7: {  	s6 =	sshll.u32 s26, $0x1;
	_ =	strace $0x80000046;
	[dreg:$0x1] =	wrdreg $0xFFFFFFFF  }
0xa8: {  	s28 =	simm.s32 $_size_execute0_lowered;
	s4 =	sadd.s32 s4, s6;
	[dreg:$0x0] =	wrdreg $0x0  }
0xa9: {  	s6 =	sshll.u32 s28, $0x1;
	[dreg:$0x2] =	wrdreg s4  }
0xaa: {  	[dreg:$0x3] =	wrdreg s6  }
0xab: {  	[dreg:$0x4] =	wrdreg $0xC0  }
0xac: {  	_ =	task [dreg:s8], $0x5FFFF  }
0xad: {  	[dreg:$0x1] =	wrdreg $0xFFFFFFFF  }
0xae: {  	[dreg:$0x0] =	wrdreg $0x60  }
0xaf: {  	[dreg:$0x2] =	wrdreg s24  }
0xb0: {  	[dreg:$0x3] =	wrdreg s2  }
0xb1: {  	[dreg:$0x4] =	wrdreg s18  }
0xb2: {  	[dreg:$0x5] =	wrdreg $0x9  }
0xb3: {  	_ =	task.clear_ibuf [dreg:s8], $0x6FFFF;
	_ =	strace $0x90000046  }
0xb4: {  	s29 =	simm.s32 $0x9;
	_ =	strace $0x80000048  }
0xb5: {  	_ =	swait.ge [sflag:s29], $0x1  }
0xb6: {  	[sflag:s29] =	ssyncadd.s32 $0xFFFFFFFF  }
0xb7: {  	_ =	strace $0x90000048  }
0xb8: {  	_ =	sfence  }
0xb9: {  	s30 =	sld [smem:$0x0];
	_ =	sdelay $0x2  }
0xba: {  	s31 =	sshll.u32 s1, $0xD;
	s1 =	sshrl.u32 s1, $0x2  }
0xbb: {  	s3 =	sand.u32 $0x4000, s31;
	s1 =	sadd.s32 s1, s30  }
0xbc: {  	s0 =	sor.u32 s3, s0;
	s1 =	sshll.u32 s1, $0x11  }
0xbd: {  	s0 =	sor.u32 s1, s0  }
0xbe: {  	s0 =	sadd.s32 $0x8F2B, s0  }
0xbf: {  	[sflag:s0] =	ssyncadd.remote.s32 $0x1  }
0xc0: {  	_ =	sfence.sel $0xFFFF  }
0xc1: {  	[dreg:$0x0] =	wrdreg $0xFFFFFFFF;
	(pc) =	sbr.abs _section_cstart, $3  }
0xc2: {  	[dreg:$0x1] =	wrdreg $0xFFFFFFFF  }
0xc3: {  	_ =	task.clear_ibuf [dreg:s8], $0x2FFFF;
	_ =	strace $0x9FFFFFFF  }
0xc4: {  	(tm) =	ssettm $0x7FFFFFFF  }
0xc5: {  	_ =	shalt  }
tec
execute0_lowered:
.L_overlay_start_1:
0x0: {  	(tag) =	ssettag $0x1  }
0x1: {  	s0 =	rddreg [dreg:$0x0]  }
0x2: {  	s1 =	rddreg [dreg:$0x1];
	s4 =	srdreg.scid  }
0x3: {  	s2 =	stileid.u32;
	s3 =	simm.s32 $0x0;
	s11 =	simm.s32 $0x5400  }
0x4: {  	s13 =	simm.s32 $0x7400;
	s15 =	simm.s32 $0x9400;
	s17 =	simm.s32 $0xB400  }
0x5: {  	s19 =	simm.s32 $0xD400;
	s28 =	simm.s32 $0x5;
	s29 =	simm.s32 $0x6  }
0x6: {  	s30 =	simm.s32 $0x7;
	s31 =	simm.s32 $0x8;
	s5 =	smul.u32 $0xD0, s2  }
0x7: {  	s6 =	sand.u32 $0x1, s4;
	[smem:$0x7FF] =	sst s3;
	s9 =	smul.u32 $0x34000, s2  }
0x8: {  	s4 =	sadd.s32 $0xF42C00, s0;
	s20 =	sshll.u32 s2, $0x1;
	s7 =	smul.u32 $0x68, s6  }
0x9: {  	s8 =	ssub.s32 $0x2, s6;
	s0 =	sor.u32 s6, s20;
	s6 =	smul.u32 $0x1A000, s6  }
0xa: {  	s2 =	simm.s32 $0x0;
	_ =	strace $0x80000047;
	s0 =	smul.u32 $0x680, s0  }
0xb: {  	s21 =	sshrl.u32 s8, $0x1;
	s5 =	sadd.s32 s7, s5;
	s26 =	sadd.s32 s6, s9  }
0xc: {  	s7 =	ssub.s32 s8, s21;
	s0 =	sadd.s32 s1, s0;
	[dreg:$0x7] =	wrdreg s26  }
0xd: {  	s5 =	sshll.u32 s5, $0xA;
	s25 =	smax.u32 s7, $0x1;
	[dreg:$0x8] =	wrdreg s0  }
0xe: {  	s9 =	simm.s32 $0x80;
	s22 =	sor.u32 $0x1800, s5;
	[dreg:$0x9] =	wrdreg s25  }
0xf: {  	s6 =	simm.s32 $0x3400;
	s23 =	sor.u32 $0x1000, s5;
	[dreg:$0x4] =	wrdreg s22  }
0x10: {  	s21 =	simm.s32 $0xF400;
	s24 =	sor.u32 $0x800, s5;
	[dreg:$0x5] =	wrdreg s23  }
0x11: {  	s26 =	simm.s32 $0x4;
	s25 =	simm.s32 $0x3;
	[dreg:$0x6] =	wrdreg s24  }
0x12: {  	s22 =	simm.s32 $0x1;
	s23 =	simm.s32 $0x11400;
	s24 =	simm.s32 $0x2  }
.LBB2_1:
0x13: {  	[dreg:$0xa] =	wrdreg s2  }
0x14: {  	s0 =	rddreg [dreg:$0x8];
	s20 =	simm.s32 $0x11  }
0x15: {  	[tilespmem:s3], [sflag:$0x11] =	stream.linear.gather [hbm4b:s0+s3], $0x3400, $0x38;
	[tilespmem:$0x13400] =	vst v63  }
0x16: {  	_ =	swait.ge [sflag:s20], $0x3400  }
0x17: {  	[sflag:s20] =	ssyncset.done $0x0  }
0x18: {  	[sflag:s20] =	ssyncadd.s32 $0xFFFFCC00  }
0x19: {  	[tilespmem:s6], [sflag:$0x1] =	stream.indirect.gather [hbm4b:s4+s9], $0x40, s3, s9, $0xb8;
	[tilespmem:$0x13400] =	vst v63  }
0x1a: {  	_ = 	snop  }
0x1b: {  	[tilespmem:s11], [sflag:$0x2] =	stream.indirect.gather [hbm4b:s4+s9], $0x40, s9, s9, $0xb8;
	[tilespmem:$0x13400] =	vst v63  }
0x1c: {  	s1 =	simm.s32 $0x100  }
0x1d: {  	[tilespmem:s13], [sflag:$0x3] =	stream.indirect.gather [hbm4b:s4+s9], $0x40, s1, s9, $0xb8;
	[tilespmem:$0x13400] =	vst v63  }
0x1e: {  	s2 =	simm.s32 $0x180  }
0x1f: {  	[tilespmem:s15], [sflag:$0x4] =	stream.indirect.gather [hbm4b:s4+s9], $0x40, s2, s9, $0xb8;
	[tilespmem:$0x13400] =	vst v63  }
0x20: {  	s7 =	simm.s32 $0x200  }
0x21: {  	[tilespmem:s17], [sflag:$0x5] =	stream.indirect.gather [hbm4b:s4+s9], $0x40, s7, s9, $0xb8;
	[tilespmem:$0x13400] =	vst v63  }
0x22: {  	s8 =	simm.s32 $0x280  }
0x23: {  	[tilespmem:s19], [sflag:$0x6] =	stream.indirect.gather [hbm4b:s4+s9], $0x40, s8, s9, $0xb8;
	[tilespmem:$0x13400] =	vst v63  }
0x24: {  	s10 =	simm.s32 $0x300  }
0x25: {  	[tilespmem:s21], [sflag:$0x7] =	stream.indirect.gather [hbm4b:s4+s9], $0x40, s10, s9, $0xb8;
	[tilespmem:$0x13400] =	vst v63  }
0x26: {  	_ =	swait.ge [sflag:s22], $0x2000  }
0x27: {  	p0 =	por $0x1, $0x1;
	[sflag:s22] =	ssyncset.done $0x0  }
0x28: {  	s0 =	simm.s32 @!p0 $0x10;
	[sflag:s22] =	ssyncadd.s32 $0xFFFFE000  }
0x29: {  	_ =	swait.ge @!p0 [sflag:s0], $0x2000  }
0x2a: {  	[sflag:s0] =	ssyncset.done @!p0 $0x0  }
0x2b: {  	s12 =	simm.s32 $0x380;
	s1 =	rddreg [dreg:$0x7];
	[sflag:s0] =	ssyncadd.s32 @!p0 $0xFFFFE000  }
0x2c: {  	[tilespmem:s23], [sflag:$0x8] =	stream.indirect.gather [hbm4b:s4+s9], $0x40, s12, s9, $0xb8;
	[tilespmem:$0x13400] =	vst v63  }
0x2d: {  	s2 =	rddreg [dreg:$0x2]  }
0x2e: {  	s14 =	sadd.s32 s2, s1  }
0x2f: {  	[hbm4b:s14+s3] =	stream.linear.scatter [tilespmem:s6], [sflag:$0x9], $0x2000, $0x38;
	[tilespmem:$0x13400] =	vst v63  }
0x30: {  	_ =	swait.ge [sflag:s24], $0x2000  }
0x31: {  	p0 =	por $0x0, $0x0;
	[sflag:s24] =	ssyncset.done $0x0  }
0x32: {  	s1 =	simm.s32 @!p0 $0x9;
	[sflag:s24] =	ssyncadd.s32 $0xFFFFE000  }
0x33: {  	_ =	swait.ge @!p0 [sflag:s1], $0x2000  }
0x34: {  	s8 =	simm.s32 @!p0 $0x400;
	s12 =	simm.s32 @!p0 $0x3400;
	[sflag:s1] =	ssyncset.done @!p0 $0x0  }
0x35: {  	s0 =	sadd.s32 s2, s5;
	[sflag:s1] =	ssyncadd.s32 @!p0 $0xFFFFE000;
	s1 =	simm.s32 @!p0 $0x80  }
0x36: {  	[tilespmem:s12], [sflag:$0x1] =	stream.indirect.gather @!p0 [hbm4b:s4+s1], $0x40, s8, s1, $0xb8;
	[tilespmem:$0x13400] =	vst v63  }
0x37: {  	s16 =	sadd.s32 $0x400, s0  }
0x38: {  	[hbm4b:s16+s3] =	stream.linear.scatter [tilespmem:s11], [sflag:$0xA], $0x2000, $0x38;
	[tilespmem:$0x13400] =	vst v63  }
0x39: {  	_ =	swait.ge [sflag:s25], $0x2000  }
0x3a: {  	[sflag:s25] =	ssyncset.done $0x0  }
0x3b: {  	s8 =	simm.s32 @!p0 $0xA;
	[sflag:s25] =	ssyncadd.s32 $0xFFFFE000  }
0x3c: {  	_ =	swait.ge @!p0 [sflag:s8], $0x2000  }
0x3d: {  	s14 =	simm.s32 @!p0 $0x480;
	[sflag:s8] =	ssyncset.done @!p0 $0x0  }
0x3e: {  	s18 =	rddreg [dreg:$0x6];
	[sflag:s8] =	ssyncadd.s32 @!p0 $0xFFFFE000;
	s8 =	simm.s32 @!p0 $0x5400  }
0x3f: {  	[tilespmem:s8], [sflag:$0x2] =	stream.indirect.gather @!p0 [hbm4b:s4+s1], $0x40, s14, s1, $0xb8;
	[tilespmem:$0x13400] =	vst v63  }
0x40: {  	s20 =	sadd.s32 s2, s18  }
0x41: {  	[hbm4b:s20+s3] =	stream.linear.scatter [tilespmem:s13], [sflag:$0xB], $0x2000, $0x38;
	[tilespmem:$0x13400] =	vst v63  }
0x42: {  	_ =	swait.ge [sflag:s26], $0x2000  }
0x43: {  	[sflag:s26] =	ssyncset.done $0x0  }
0x44: {  	s8 =	simm.s32 @!p0 $0xB;
	[sflag:s26] =	ssyncadd.s32 $0xFFFFE000  }
0x45: {  	_ =	swait.ge @!p0 [sflag:s8], $0x2000  }
0x46: {  	[sflag:s8] =	ssyncset.done @!p0 $0x0  }
0x47: {  	s12 =	simm.s32 @!p0 $0x500;
	[sflag:s8] =	ssyncadd.s32 @!p0 $0xFFFFE000;
	s8 =	simm.s32 @!p0 $0x7400  }
0x48: {  	[tilespmem:s8], [sflag:$0x3] =	stream.indirect.gather @!p0 [hbm4b:s4+s1], $0x40, s12, s1, $0xb8;
	[tilespmem:$0x13400] =	vst v63  }
0x49: {  	s7 =	sadd.s32 $0xC00, s0  }
0x4a: {  	[hbm4b:s7+s3] =	stream.linear.scatter [tilespmem:s15], [sflag:$0xC], $0x2000, $0x38;
	[tilespmem:$0x13400] =	vst v63  }
0x4b: {  	_ =	swait.ge [sflag:s28], $0x2000  }
0x4c: {  	[sflag:s28] =	ssyncset.done $0x0  }
0x4d: {  	s8 =	simm.s32 @!p0 $0xC;
	[sflag:s28] =	ssyncadd.s32 $0xFFFFE000  }
0x4e: {  	_ =	swait.ge @!p0 [sflag:s8], $0x2000  }
0x4f: {  	s14 =	simm.s32 @!p0 $0x580;
	[sflag:s8] =	ssyncset.done @!p0 $0x0  }
0x50: {  	s10 =	rddreg [dreg:$0x5];
	[sflag:s8] =	ssyncadd.s32 @!p0 $0xFFFFE000;
	s8 =	simm.s32 @!p0 $0x9400  }
0x51: {  	[tilespmem:s8], [sflag:$0x4] =	stream.indirect.gather @!p0 [hbm4b:s4+s1], $0x40, s14, s1, $0xb8;
	[tilespmem:$0x13400] =	vst v63  }
0x52: {  	s14 =	sadd.s32 s2, s10  }
0x53: {  	[hbm4b:s14+s3] =	stream.linear.scatter [tilespmem:s17], [sflag:$0xD], $0x2000, $0x38;
	[tilespmem:$0x13400] =	vst v63  }
0x54: {  	_ =	swait.ge [sflag:s29], $0x2000  }
0x55: {  	[sflag:s29] =	ssyncset.done $0x0  }
0x56: {  	s8 =	simm.s32 @!p0 $0xD;
	[sflag:s29] =	ssyncadd.s32 $0xFFFFE000  }
0x57: {  	_ =	swait.ge @!p0 [sflag:s8], $0x2000  }
0x58: {  	[sflag:s8] =	ssyncset.done @!p0 $0x0  }
0x59: {  	s12 =	simm.s32 @!p0 $0x600;
	[sflag:s8] =	ssyncadd.s32 @!p0 $0xFFFFE000;
	s8 =	simm.s32 @!p0 $0xB400  }
0x5a: {  	[tilespmem:s8], [sflag:$0x5] =	stream.indirect.gather @!p0 [hbm4b:s4+s1], $0x40, s12, s1, $0xb8;
	[tilespmem:$0x13400] =	vst v63  }
0x5b: {  	s16 =	sadd.s32 $0x1400, s0  }
0x5c: {  	[hbm4b:s16+s3] =	stream.linear.scatter [tilespmem:s19], [sflag:$0xE], $0x2000, $0x38;
	[tilespmem:$0x13400] =	vst v63  }
0x5d: {  	_ =	swait.ge [sflag:s30], $0x2000  }
0x5e: {  	[sflag:s30] =	ssyncset.done $0x0  }
0x5f: {  	s8 =	simm.s32 @!p0 $0xE;
	[sflag:s30] =	ssyncadd.s32 $0xFFFFE000  }
0x60: {  	_ =	swait.ge @!p0 [sflag:s8], $0x2000  }
0x61: {  	s14 =	simm.s32 @!p0 $0x680;
	[sflag:s8] =	ssyncset.done @!p0 $0x0  }
0x62: {  	s18 =	rddreg [dreg:$0x4];
	[sflag:s8] =	ssyncadd.s32 @!p0 $0xFFFFE000;
	s8 =	simm.s32 @!p0 $0xD400  }
0x63: {  	[tilespmem:s8], [sflag:$0x6] =	stream.indirect.gather @!p0 [hbm4b:s4+s1], $0x40, s14, s1, $0xb8;
	[tilespmem:$0x13400] =	vst v63  }
0x64: {  	s20 =	sadd.s32 s2, s18  }
0x65: {  	[hbm4b:s20+s3] =	stream.linear.scatter [tilespmem:s21], [sflag:$0xF], $0x2000, $0x38;
	[tilespmem:$0x13400] =	vst v63  }
0x66: {  	_ =	swait.ge [sflag:s31], $0x2000  }
0x67: {  	[sflag:s31] =	ssyncset.done $0x0  }
0x68: {  	s8 =	simm.s32 @!p0 $0xF;
	[sflag:s31] =	ssyncadd.s32 $0xFFFFE000  }
0x69: {  	_ =	swait.ge @!p0 [sflag:s8], $0x2000  }
0x6a: {  	[sflag:s8] =	ssyncset.done @!p0 $0x0  }
0x6b: {  	s12 =	simm.s32 @!p0 $0x700;
	[sflag:s8] =	ssyncadd.s32 @!p0 $0xFFFFE000;
	s8 =	simm.s32 @!p0 $0xF400  }
0x6c: {  	[tilespmem:s8], [sflag:$0x7] =	stream.indirect.gather @!p0 [hbm4b:s4+s1], $0x40, s12, s1, $0xb8;
	[tilespmem:$0x13400] =	vst v63  }
0x6d: {  	s8 =	simm.s32 $0x1000;
	s1 =	sadd.s32 $0x1C00, s0;
	s0 =	sadd.s32 $0x2000, s2  }
.LBB2_2:
0x6e: {  	[hbm4b:s1+s3] =	stream.linear.scatter [tilespmem:s23], [sflag:$0x10], $0x2000, $0x38;
	[tilespmem:$0x13400] =	vst v63  }
0x6f: {  	s1 =	smov.u32 s8;
	_ =	swait.ge [sflag:s22], $0x2000  }
0x70: {  	p1 =	seq.s32 s1, $0x0;
	[sflag:s22] =	ssyncset.done $0x0  }
0x71: {  	s12 =	simm.s32 @!p1 $0x10;
	[sflag:s22] =	ssyncadd.s32 $0xFFFFE000  }
0x72: {  	_ =	swait.ge @!p1 [sflag:s12], $0x2000  }
0x73: {  	s14 =	sshra.s32 s1, $0x2;
	[sflag:s12] =	ssyncset.done @!p1 $0x0  }
0x74: {  	s20 =	sadd.s32 $0x380, s14;
	s16 =	rddreg [dreg:$0x7];
	[sflag:s12] =	ssyncadd.s32 @!p1 $0xFFFFE000  }
0x75: {  	[tilespmem:s23], [sflag:$0x8] =	stream.indirect.gather [hbm4b:s4+s9], $0x40, s20, s9, $0xb8;
	[tilespmem:$0x13400] =	vst v63  }
0x76: {  	s2 =	sadd.s32 s0, s16  }
0x77: {  	[hbm4b:s2+s3] =	stream.linear.scatter [tilespmem:s6], [sflag:$0x9], $0x2000, $0x38;
	[tilespmem:$0x13400] =	vst v63  }
0x78: {  	_ =	swait.ge [sflag:s24], $0x2000  }
0x79: {  	p1 =	seq.s32 s1, $0xC000;
	[sflag:s24] =	ssyncset.done $0x0  }
0x7a: {  	s12 =	simm.s32 @!p1 $0x9;
	[sflag:s24] =	ssyncadd.s32 $0xFFFFE000  }
0x7b: {  	s14 =	sshra.s32 @!p1 s1, $0x2;
	_ =	swait.ge @!p1 [sflag:s12], $0x2000  }
0x7c: {  	s1 =	sadd.s32 s0, s5;
	s18 =	simm.s32 @!p1 $0x3400;
	[sflag:s12] =	ssyncset.done @!p1 $0x0  }
0x7d: {  	s16 =	sadd.s32 @!p1 $0x400, s14;
	[sflag:s12] =	ssyncadd.s32 @!p1 $0xFFFFE000;
	s12 =	simm.s32 @!p1 $0x80  }
0x7e: {  	[tilespmem:s18], [sflag:$0x1] =	stream.indirect.gather @!p1 [hbm4b:s4+s12], $0x40, s16, s12, $0xb8;
	[tilespmem:$0x13400] =	vst v63  }
0x7f: {  	s7 =	sadd.s32 $0x400, s1  }
0x80: {  	[hbm4b:s7+s3] =	stream.linear.scatter [tilespmem:s11], [sflag:$0xA], $0x2000, $0x38;
	[tilespmem:$0x13400] =	vst v63  }
0x81: {  	_ =	swait.ge [sflag:s25], $0x2000  }
0x82: {  	[sflag:s25] =	ssyncset.done $0x0  }
0x83: {  	s7 =	simm.s32 @!p1 $0xA;
	[sflag:s25] =	ssyncadd.s32 $0xFFFFE000  }
0x84: {  	_ =	swait.ge @!p1 [sflag:s7], $0x2000  }
0x85: {  	s6 =	sadd.s32 @!p1 $0x480, s14;
	[sflag:s7] =	ssyncset.done @!p1 $0x0  }
0x86: {  	s10 =	rddreg [dreg:$0x6];
	[sflag:s7] =	ssyncadd.s32 @!p1 $0xFFFFE000;
	s7 =	simm.s32 @!p1 $0x5400  }
0x87: {  	[tilespmem:s7], [sflag:$0x2] =	stream.indirect.gather @!p1 [hbm4b:s4+s12], $0x40, s6, s12, $0xb8;
	[tilespmem:$0x13400] =	vst v63  }
0x88: {  	s10 =	sadd.s32 s0, s10  }
0x89: {  	[hbm4b:s10+s3] =	stream.linear.scatter [tilespmem:s13], [sflag:$0xB], $0x2000, $0x38;
	[tilespmem:$0x13400] =	vst v63  }
0x8a: {  	_ =	swait.ge [sflag:s26], $0x2000  }
0x8b: {  	[sflag:s26] =	ssyncset.done $0x0  }
0x8c: {  	s6 =	simm.s32 @!p1 $0xB;
	[sflag:s26] =	ssyncadd.s32 $0xFFFFE000  }
0x8d: {  	_ =	swait.ge @!p1 [sflag:s6], $0x2000  }
0x8e: {  	[sflag:s6] =	ssyncset.done @!p1 $0x0  }
0x8f: {  	s2 =	sadd.s32 @!p1 $0x500, s14;
	[sflag:s6] =	ssyncadd.s32 @!p1 $0xFFFFE000;
	s6 =	simm.s32 @!p1 $0x7400  }
0x90: {  	[tilespmem:s6], [sflag:$0x3] =	stream.indirect.gather @!p1 [hbm4b:s4+s12], $0x40, s2, s12, $0xb8;
	[tilespmem:$0x13400] =	vst v63  }
0x91: {  	s7 =	sadd.s32 $0xC00, s1  }
0x92: {  	[hbm4b:s7+s3] =	stream.linear.scatter [tilespmem:s15], [sflag:$0xC], $0x2000, $0x38;
	[tilespmem:$0x13400] =	vst v63  }
0x93: {  	_ =	swait.ge [sflag:s28], $0x2000  }
0x94: {  	[sflag:s28] =	ssyncset.done $0x0  }
0x95: {  	s2 =	simm.s32 @!p1 $0xC;
	[sflag:s28] =	ssyncadd.s32 $0xFFFFE000  }
0x96: {  	_ =	swait.ge @!p1 [sflag:s2], $0x2000  }
0x97: {  	s20 =	sadd.s32 @!p1 $0x580, s14;
	[sflag:s2] =	ssyncset.done @!p1 $0x0  }
0x98: {  	s10 =	rddreg [dreg:$0x5];
	[sflag:s2] =	ssyncadd.s32 @!p1 $0xFFFFE000;
	s2 =	simm.s32 @!p1 $0x9400  }
0x99: {  	[tilespmem:s2], [sflag:$0x4] =	stream.indirect.gather @!p1 [hbm4b:s4+s12], $0x40, s20, s12, $0xb8;
	[tilespmem:$0x13400] =	vst v63  }
0x9a: {  	s7 =	sadd.s32 s0, s10  }
0x9b: {  	[hbm4b:s7+s3] =	stream.linear.scatter [tilespmem:s17], [sflag:$0xD], $0x2000, $0x38;
	[tilespmem:$0x13400] =	vst v63  }
0x9c: {  	_ =	swait.ge [sflag:s29], $0x2000  }
0x9d: {  	[sflag:s29] =	ssyncset.done $0x0  }
0x9e: {  	s2 =	simm.s32 @!p1 $0xD;
	[sflag:s29] =	ssyncadd.s32 $0xFFFFE000  }
0x9f: {  	_ =	swait.ge @!p1 [sflag:s2], $0x2000  }
0xa0: {  	[sflag:s2] =	ssyncset.done @!p1 $0x0  }
0xa1: {  	s18 =	sadd.s32 @!p1 $0x600, s14;
	[sflag:s2] =	ssyncadd.s32 @!p1 $0xFFFFE000;
	s2 =	simm.s32 @!p1 $0xB400  }
0xa2: {  	[tilespmem:s2], [sflag:$0x5] =	stream.indirect.gather @!p1 [hbm4b:s4+s12], $0x40, s18, s12, $0xb8;
	[tilespmem:$0x13400] =	vst v63  }
0xa3: {  	s10 =	sadd.s32 $0x1400, s1  }
0xa4: {  	[hbm4b:s10+s3] =	stream.linear.scatter [tilespmem:s19], [sflag:$0xE], $0x2000, $0x38;
	[tilespmem:$0x13400] =	vst v63  }
0xa5: {  	_ =	swait.ge [sflag:s30], $0x2000  }
0xa6: {  	[sflag:s30] =	ssyncset.done $0x0  }
0xa7: {  	s2 =	simm.s32 @!p1 $0xE;
	[sflag:s30] =	ssyncadd.s32 $0xFFFFE000  }
0xa8: {  	_ =	swait.ge @!p1 [sflag:s2], $0x2000  }
0xa9: {  	s16 =	sadd.s32 @!p1 $0x680, s14;
	[sflag:s2] =	ssyncset.done @!p1 $0x0  }
0xaa: {  	s18 =	rddreg [dreg:$0x4];
	[sflag:s2] =	ssyncadd.s32 @!p1 $0xFFFFE000;
	s2 =	simm.s32 @!p1 $0xD400  }
0xab: {  	[tilespmem:s2], [sflag:$0x6] =	stream.indirect.gather @!p1 [hbm4b:s4+s12], $0x40, s16, s12, $0xb8;
	[tilespmem:$0x13400] =	vst v63  }
0xac: {  	s20 =	sadd.s32 s0, s18  }
0xad: {  	[hbm4b:s20+s3] =	stream.linear.scatter [tilespmem:s21], [sflag:$0xF], $0x2000, $0x38;
	[tilespmem:$0x13400] =	vst v63  }
0xae: {  	s8 =	sadd.s32 $0x1000, s8;
	_ =	swait.ge [sflag:s31], $0x2000  }
0xaf: {  	p0 =	sne.s32 s8, $0xD000;
	[sflag:s31] =	ssyncset.done $0x0  }
.Ltmp0:
0xb0: {  	s2 =	simm.s32 @!p1 $0xF;
	[sflag:s31] =	ssyncadd.s32 $0xFFFFE000;
	(pc) =	sbr.rel @p0 .LBB2_2-.Ltmp0, $4  }
0xb1: {  	s14 =	sadd.s32 @!p1 $0x700, s14;
	_ =	swait.ge @!p1 [sflag:s2], $0x2000  }
0xb2: {  	s6 =	simm.s32 $0x3400;
	s1 =	sadd.s32 $0x1C00, s1;
	[sflag:s2] =	ssyncset.done @!p1 $0x0  }
0xb3: {  	s0 =	sadd.s32 $0x2000, s0;
	[sflag:s2] =	ssyncadd.s32 @!p1 $0xFFFFE000;
	s2 =	simm.s32 @!p1 $0xF400  }
0xb4: {  	[tilespmem:s2], [sflag:$0x7] =	stream.indirect.gather @!p1 [hbm4b:s4+s12], $0x40, s14, s12, $0xb8;
	[tilespmem:$0x13400] =	vst v63  }
0xb5: {  	[hbm4b:s1+s3] =	stream.linear.scatter [tilespmem:s23], [sflag:$0x10], $0x2000, $0x38;
	[tilespmem:$0x13400] =	vst v63  }
0xb6: {  	s0 =	simm.s32 $0x9  }
0xb7: {  	_ =	swait.ge [sflag:s0], $0x2000  }
0xb8: {  	[sflag:s0] =	ssyncset.done $0x0  }
0xb9: {  	s7 =	simm.s32 $0xA;
	[sflag:s0] =	ssyncadd.s32 $0xFFFFE000  }
0xba: {  	_ =	swait.ge [sflag:s7], $0x2000  }
0xbb: {  	[sflag:s7] =	ssyncset.done $0x0  }
0xbc: {  	s8 =	simm.s32 $0xB;
	[sflag:s7] =	ssyncadd.s32 $0xFFFFE000  }
0xbd: {  	_ =	swait.ge [sflag:s8], $0x2000  }
0xbe: {  	[sflag:s8] =	ssyncset.done $0x0  }
0xbf: {  	s10 =	simm.s32 $0xC;
	[sflag:s8] =	ssyncadd.s32 $0xFFFFE000  }
0xc0: {  	_ =	swait.ge [sflag:s10], $0x2000  }
0xc1: {  	[sflag:s10] =	ssyncset.done $0x0  }
0xc2: {  	s12 =	simm.s32 $0xD;
	[sflag:s10] =	ssyncadd.s32 $0xFFFFE000  }
0xc3: {  	_ =	swait.ge [sflag:s12], $0x2000  }
0xc4: {  	[sflag:s12] =	ssyncset.done $0x0  }
0xc5: {  	s14 =	simm.s32 $0xE;
	[sflag:s12] =	ssyncadd.s32 $0xFFFFE000  }
0xc6: {  	_ =	swait.ge [sflag:s14], $0x2000  }
0xc7: {  	[sflag:s14] =	ssyncset.done $0x0  }
0xc8: {  	s16 =	simm.s32 $0xF;
	[sflag:s14] =	ssyncadd.s32 $0xFFFFE000  }
0xc9: {  	_ =	swait.ge [sflag:s16], $0x2000  }
0xca: {  	[sflag:s16] =	ssyncset.done $0x0  }
0xcb: {  	s18 =	simm.s32 $0x10;
	[sflag:s16] =	ssyncadd.s32 $0xFFFFE000  }
0xcc: {  	_ =	swait.ge [sflag:s18], $0x2000  }
0xcd: {  	s2 =	rddreg [dreg:$0xa]  }
0xce: {  	s20 =	rddreg [dreg:$0x9];
	s2 =	sadd.s32 $0x1, s2  }
0xcf: {  	p0 =	sne.s32 s2, s20  }
.Ltmp1:
0xd0: {  	_ = 	snop;
	(pc) =	sbr.rel @p0 .LBB2_1-.Ltmp1, $3  }
0xd1: {  	_ =	sdelay $0x1  }
0xd2: {  	[sflag:s18] =	ssyncset.done $0x0  }
0xd3: {  	[sflag:s18] =	ssyncadd.s32 $0xFFFFE000  }
0xd4: {  	_ =	sfence.sel $0x180000  }
0xd5: {  	[bflag:$0x0] =	sbarrier.arrive $0xFFFF  }
0xd6: {  	_ =	strace $0x90000047  }
0xd7: {  	s0 =	stileid.u32;
	[bflag:$0x2] =	sbarrier.arrive $0xFFFF  }
0xd8: {  	p0 =	sne.s32 s0, $0x0;
	s0 =	rddreg [dreg:$0x3]  }
0xd9: {  	s0 =	sadd.s32 @!p0 $0x100000, s0  }
0xda: {  	[sflag:s0] =	ssyncadd.tile.s32 @!p0 $0x1;
	_ =	shalt  }
.Lfunc_end2:
_tile_overlayer_lowered:
.L_overlay_start_2:
0xdb: {  	(tag) =	ssettag $0x2  }
0xdc: {  	s0 =	rddreg [dreg:$0x0];
	s2 =	stileid.u32  }
0xdd: {  	s1 =	rddreg [dreg:$0x1];
	p0 =	sne.s32 s2, $0x0  }
0xde: {  	s3 =	rddreg [dreg:$0x2];
	[bflag:$0x3] =	sbarrier.arrive $0xFFFF;
	s2 =	simm.s32 @!p0 $0x1C11  }
0xdf: {  	[timem:s3], [sflag:s2] =	dma.local @!p0 [hbm:s0], s1  }
0xe0: {  	s0 =	simm.s32 @!p0 $0x11  }
0xe1: {  	_ =	swait.ge @!p0 [sflag:s0], s1  }
0xe2: {  	s1 =	ssub.s32 @!p0 $0x0, s1;
	[sflag:s0] =	ssyncset.done @!p0 $0x0  }
0xe3: {  	[sflag:s0] =	ssyncadd.s32 @!p0 s1  }
0xe4: {  	[bflag:$0x3] =	sbarrier.arrive $0xFFFF  }
0xe5: {  	_ =	shalt  }

// kernel: sparse-core-data-format-call.cloned.1.call-start
scs
called_computation_lowered:
.L_overlay_start_0:
0x0: {  	s2 =	sld [smem:$0x3FD9]  }
0x1: {  	s3 =	sld [smem:$0x3FFE];
	_ =	sdelay $0x1  }
0x2: {  	s1 =	srdreg.scid  }
0x3: {  	s0 =	sand.u32 $0x1, s1  }
0x4: {  	s18 =	sshll.u32 s0, $0xA;
	s2 =	sadd.s32 s3, s2  }
0x5: {  	s2 =	sadd.s32 s2, s18  }
0x6: {  	[smem:$0x3FC6] =	sst s2  }
0x7: {  	_ = 	snop  }
0x8: {  	s2 =	sld [smem:$0x3FD0];
	(tm) =	ssettm $0x1  }
0x9: {  	s19 =	sld [smem:$0x3FFB];
	_ =	sdelay $0x3  }
0xa: {  	_ =	strace s19  }
0xb: {  	s3 =	sld [smem:$0x3FFC];
	_ =	sdelay $0x3  }
0xc: {  	_ =	strace s3  }
0xd: {  	s3 =	sld [smem:$0x3FFD];
	_ =	sdelay $0x3  }
0xe: {  	_ =	strace s3  }
0xf: {  	_ =	strace $0x8FFFFFFF  }
0x10: {  	s20 =	sld [smem:$0x3FDB];
	_ =	sdelay $0x1  }
0x11: {  	s4 =	simm.s32 $_scs_section_size  }
0x12: {  	s5 =	simm.s32 $_size__tile_overlayer_lowered;
	s6 =	simm.s32 $_tile_overlayer_lowered  }
0x13: {  	s23 =	simm.s32 $0x1BFF;
	s22 =	sshll.u32 s6, $0x1;
	s3 =	sadd.s32 s4, s20  }
0x14: {  	s7 =	simm.s32 $0x0;
	s21 =	sshll.u32 s5, $0x1;
	s5 =	sadd.s32 s22, s3  }
0x15: {  	[timem:s7], [sflag:s23] =	dma.local [hbm:s5], s21  }
0x16: {  	_ =	swait.ge [sflag:s23], s21  }
0x17: {  	s4 =	ssub.s32 $0x0, s21;
	[sflag:s23] =	ssyncset.done $0x0  }
0x18: {  	[sflag:s23] =	ssyncadd.s32 s4;
	_ =	sdelay $0x1  }
0x19: {  	s24 =	simm.s32 $0x1B8B  }
0x1a: {  	_ =	swait.ge [sflag:s24], $0x1  }
0x1b: {  	[sflag:s24] =	ssyncset.done $0x0  }
0x1c: {  	s26 =	simm.s32 $0x1B8E;
	s25 =	sld [smem:$0x3FFE];
	[sflag:s24] =	ssyncadd.s32 $0xFFFFFFFF  }
0x1d: {  	s27 =	simm.s32 $execute0_lowered;
	[smem:$0x3FD2] =	sst s26  }
0x1e: {  	s5 =	sshll.u32 s27, $0x1;
	_ =	strace $0x80000049;
	[dreg:$0x1] =	wrdreg $0xFFFFFFFF  }
0x1f: {  	s28 =	simm.s32 $_size_execute0_lowered;
	s3 =	sadd.s32 s3, s5;
	[dreg:$0x0] =	wrdreg $0x0  }
0x20: {  	s5 =	sshll.u32 s28, $0x1;
	[dreg:$0x2] =	wrdreg s3  }
0x21: {  	[dreg:$0x3] =	wrdreg s5  }
0x22: {  	[dreg:$0x4] =	wrdreg $0xC0  }
0x23: {  	_ =	task [dreg:s7], $0x5FFFF  }
0x24: {  	[dreg:$0x1] =	wrdreg $0xFFFFFFFF  }
0x25: {  	[dreg:$0x0] =	wrdreg $0x60  }
0x26: {  	[dreg:$0x2] =	wrdreg s25  }
0x27: {  	[dreg:$0x3] =	wrdreg s2  }
0x28: {  	[dreg:$0x4] =	wrdreg $0x9  }
0x29: {  	_ =	task.clear_ibuf [dreg:s7], $0x5FFFF;
	_ =	strace $0x90000049  }
0x2a: {  	s29 =	simm.s32 $0x9;
	_ =	strace $0x8000004B  }
0x2b: {  	_ =	swait.ge [sflag:s29], $0x1  }
0x2c: {  	[sflag:s29] =	ssyncadd.s32 $0xFFFFFFFF  }
0x2d: {  	_ =	strace $0x9000004B  }
0x2e: {  	_ =	sfence  }
0x2f: {  	s30 =	sld [smem:$0x0];
	_ =	sdelay $0x2  }
0x30: {  	s31 =	sshll.u32 s1, $0xD;
	s1 =	sshrl.u32 s1, $0x2  }
0x31: {  	s3 =	sand.u32 $0x4000, s31;
	s1 =	sadd.s32 s1, s30  }
0x32: {  	s0 =	sor.u32 s3, s0;
	s1 =	sshll.u32 s1, $0x11  }
0x33: {  	s0 =	sor.u32 s1, s0  }
0x34: {  	s0 =	sadd.s32 $0x8F2B, s0  }
0x35: {  	[sflag:s0] =	ssyncadd.remote.s32 $0x1  }
0x36: {  	_ =	sfence.sel $0xFFFF  }
0x37: {  	[dreg:$0x0] =	wrdreg $0xFFFFFFFF;
	(pc) =	sbr.abs _section_cstart, $3  }
0x38: {  	[dreg:$0x1] =	wrdreg $0xFFFFFFFF  }
0x39: {  	_ =	task.clear_ibuf [dreg:s7], $0x2FFFF;
	_ =	strace $0x9FFFFFFF  }
0x3a: {  	(tm) =	ssettm $0x7FFFFFFF  }
0x3b: {  	_ =	shalt  }
tec
execute0_lowered:
.L_overlay_start_1:
0x0: {  	(tag) =	ssettag $0x1  }
0x1: {  	s0 =	srdreg.scid  }
0x2: {  	s1 =	sshll.u32 s0, $0x4  }
0x3: {  	s4 =	rddreg [dreg:$0x0];
	s0 =	stileid.u32;
	s1 =	sand.u32 $0x10, s1  }
0x4: {  	s2 =	rddreg [dreg:$0x1];
	s7 =	simm.s32 $0x1;
	s1 =	sor.u32 s0, s1  }
0x5: {  	s8 =	simm.s32 $0x2;
	s11 =	simm.s32 $0x0;
	s3 =	sshll.u32 s1, $0x7  }
0x6: {  	s10 =	simm.s32 $0x0;
	s4 =	sadd.s32 $0x800, s4;
	s6 =	ssub.s32 $0x68000, s3  }
.Ltmp0:
0x7: {  	s1 =	rddreg [dreg:$0x2];
	s5 =	sand.u32 $0xF80, s6;
	(pc) =	sbr.rel .LBB1_1-.Ltmp0, $4  }
0x8: {  	_ =	strace $0x8000004A;
	s9 =	smov.u32 s3;
	p0 =	sne.s32 s5, $0x0  }
0x9: {  	s6 =	sshrl.u32 s6, $0xC;
	s5 =	simm.s32 $0x1;
	s7 =	simm.s32 @!p0 $0x0  }
0xa: {  	[sflag:s5] =	ssyncpa.u1 $0x0;
	p0 =	por $0x0, $0x0;
	s6 =	sadd.s32 s7, s6  }
0xb: {  	[sflag:s8] =	ssyncpa.u1 $0x0;
	s8 =	simm.s32 $0x340000;
	s7 =	sadd.s32 $0x1, s6  }
.LBB1_4:
0xc: {  	s14 =	sshll.u32 s11, $0x3  }
0xd: {  	s30 =	sand.u32 $0x7F, s11;
	s15 =	sand.u32 $0xFFFFFC00, s14  }
0xe: {  	s11 =	sor.u32 s30, s15  }
0xf: {  	s15 =	smulhi.u32 $0x4EC4EC4F, s11  }
0x10: {  	s14 =	smulhi.u32 $0x4EC4EC4F, s14  }
0x11: {  	s15 =	sshrl.u32 s15, $0x11  }
0x12: {  	s14 =	sshrl.u32 s14, $0x11;
	s15 =	smul.u32 $0x68000, s15  }
0x13: {  	s14 =	sand.u32 $0x3F, s14  }
0x14: {  	s14 =	smul.u32 $0xD000, s14;
	s11 =	ssub.s32 s11, s15  }
0x15: {  	[tilespmem:s13+$0x810 ss:$0x81] =	vst.msk $0xffff, v2;
	s15 =	sand.u32 $0x7, s11  }
0x16: {  	[tilespmem:s13+$0x1020 ss:$0x81] =	vst.msk $0xffff, v0;
	s14 =	sadd.s32 s2, s14;
	s11 =	sshrl.u32 s11, $0x3;
	s15 =	sshll.u32 s15, $0x12  }
0x17: {  	[tilespmem:s13+$0x0 ss:$0x81] =	vst.msk $0xffff, v1;
	s11 =	sadd.s32 s11, s14;
	s31 =	sor.u32 $0x400, s15  }
0x18: {  	[hbm4b:s11+s31] =	stream.strided.scatter [tilespmem:s12], [sflag:$0x2], $0x2000, s8, s31, $0x20;
	[tilespmem:$0x8080] =	vst v63  }
.LBB1_5:
0x19: {  	s13 =	sadd.s32 $0x1000, s9  }
0x1a: {  	p2 =	sgt.s32 s13, $0x67FFF  }
0x1b: {  	s13 =	smov.u32 @p2 s3;
	p2 =	sne.s32 s10, s7  }
.Ltmp1:
0x1c: {  	p1 =	slt.u32 s10, $0x2;
	(pc) =	sbr.rel @!p2 .LBB1_6-.Ltmp1, $4  }
0x1d: {  	s12 =	simm.s32 @!p1 $0x2  }
0x1e: {  	s14 =	sadd.s32 $0x1, s10;
	_ =	swait.ge @!p1 [sflag:s12], $0x2000  }
0x1f: {  	s11 =	smov.u32 s9;
	p0 =	por !p0, !p0;
	[sflag:s12] =	ssyncset.done @!p1 $0x0  }
0x20: {  	s10 =	smov.u32 s14;
	s9 =	smov.u32 s13;
	[sflag:s12] =	ssyncadd.s32 @!p1 $0xFFFFE000  }
.LBB1_1:
0x21: {  	p1 =	sge.u32 s10, s6  }
0x22: {  	s12 =	sand.u32 @!p1 $0x1FFFFFF, s9  }
0x23: {  	s13 =	smulhi.u32 @!p1 $0x2762763, s12;
	_ =	sdelay $0x1  }
0x24: {  	s13 =	sshrl.u32 @!p1 s13, $0xC  }
0x25: {  	s13 =	smul.u32 @!p1 $0x68000, s13;
	_ =	sdelay $0x1  }
0x26: {  	s31 =	sadd.s32 $0xFFFFFFFF, s10;
	s14 =	sxor.u32 @!p1 $0xFFFFFFFF, s10;
	s12 =	ssub.s32 @!p1 s12, s13  }
0x27: {  	s15 =	simm.s32 @!p1 $0x80;
	s14 =	sshll.u32 @!p1 s14, $0xD;
	s12 =	sshll.u32 @!p1 s12, $0x4  }
0x28: {  	s13 =	sand.u32 @!p1 $0x2000, s14;
	s14 =	simm.s32 @!p1 $0x40;
	s12 =	sadd.s32 @!p1 s4, s12  }
0x29: {  	[tilespmem:s13], [sflag:$0x1] =	stream.strided.gather @!p1 [hbm4b:s12+s14], $0x2000, s15, s14, $0x38;
	[tilespmem:$0x8080] =	vst v63  }
0x2a: {  	p1 =	sge.u32 s31, s6  }
.Ltmp2:
0x2b: {  	_ = 	snop;
	(pc) =	sbr.rel @p1 .LBB1_5-.Ltmp2, $1  }
0x2c: {  	_ =	sdelay $0x3  }
0x2d: {  	s12 =	simm.s32 $0x1  }
0x2e: {  	_ =	swait.ge [sflag:s5], $0x2000;
	s12 =	simm.s32 @!p0 $0x0  }
0x2f: {  	[sflag:s5] =	ssyncset.done $0x0;
	s13 =	sshll.u32 s12, $0xD  }
0x30: {  	[sflag:s5] =	ssyncadd.s32 $0xFFFFE000;
	s16 =	sor.u32 $0x20, s13  }
0x31: {  	s12 =	smul.u32 $0x8100, s12;
	v3 =	vld [tilespmem:s16+$0x10]  }
0x32: {  	s30 =	sand.u32 $0x1, s10;
	v2 =	vld [tilespmem:s16+$0xFFFFFFF0]  }
0x33: {  	s13 =	smul.u32 $0x8100, s30;
	s12 =	sshrl.u32 s12, $0x2;
	v0 =	vld [tilespmem:s16+$0x0]  }
0x34: {  	v1 =	vld [tilespmem:s16+$0xFFFFFFE0];
	s14 =	sor.u32 $0x4000, s12  }
0x35: {  	s31 =	sshrl.u32 s13, $0x2;
	s13 =	sadd.s32 $0x0, s14  }
0x36: {  	s15 =	simm.s32 $0x4;
	s16 =	sadd.s32 $0x40, s16;
	s12 =	sor.u32 $0x4000, s31;
	[tilespmem:s13+$0x1830 ss:$0x81] =	vst.msk $0xffff, v3  }
.LBB1_3:
0x37: {  	v3 =	vld [tilespmem:s16+$0x10];
	p1 =	sne.s32 s15, $0x1FC;
	[tilespmem:s13+$0x810 ss:$0x81] =	vst.msk $0xffff, v2;
	s17 =	smov.u32 s15;
	s15 =	sadd.s32 $0x4, s15  }
.Ltmp3:
0x38: {  	v2 =	vld [tilespmem:s16+$0xFFFFFFF0];
	[tilespmem:s13+$0x1020 ss:$0x81] =	vst.msk $0xffff, v0;
	(pc) =	sbr.rel @p1 .LBB1_3-.Ltmp3, $4  }
0x39: {  	v0 =	vld [tilespmem:s16+$0x0];
	[tilespmem:s13+$0x0 ss:$0x81] =	vst.msk $0xffff, v1  }
0x3a: {  	s13 =	sshra.s32 s17, $0x2;
	v1 =	vld [tilespmem:s16+$0xFFFFFFE0]  }
0x3b: {  	s13 =	sadd.s32 s13, s14  }
0x3c: {  	s16 =	sadd.s32 $0x40, s16;
	[tilespmem:s13+$0x1830 ss:$0x81] =	vst.msk $0xffff, v3  }
.Ltmp4:
0x3d: {  	_ = 	snop;
	(pc) =	sbr.rel .LBB1_4-.Ltmp4, $1  }
0x3e: {  	_ =	sdelay $0x3  }
.LBB1_6:
0x3f: {  	_ =	sfence.sel $0x180000  }
0x40: {  	s2 =	simm.s32 $0x1;
	[bflag:$0x0] =	sbarrier.arrive $0xFFFF  }
0x41: {  	s31 =	simm.s32 $0x2;
	[sflag:s2] =	ssyncpa.u1 $0x1  }
0x42: {  	[sflag:s31] =	ssyncpa.u1 $0x1  }
0x43: {  	p0 =	sne.s32 s0, $0x0;
	_ =	strace $0x9000004A  }
0x44: {  	s0 =	sadd.s32 @!p0 $0x100000, s1;
	[bflag:$0x2] =	sbarrier.arrive $0xFFFF  }
0x45: {  	[sflag:s0] =	ssyncadd.tile.s32 @!p0 $0x1;
	_ =	shalt  }
.Lfunc_end1:
_tile_overlayer_lowered:
.L_overlay_start_2:
0x46: {  	(tag) =	ssettag $0x2  }
0x47: {  	s0 =	rddreg [dreg:$0x0];
	s2 =	stileid.u32  }
0x48: {  	s1 =	rddreg [dreg:$0x1];
	p0 =	sne.s32 s2, $0x0  }
0x49: {  	s3 =	rddreg [dreg:$0x2];
	[bflag:$0x3] =	sbarrier.arrive $0xFFFF;
	s2 =	simm.s32 @!p0 $0x1C01  }
0x4a: {  	[timem:s3], [sflag:s2] =	dma.local @!p0 [hbm:s0], s1  }
0x4b: {  	s0 =	simm.s32 @!p0 $0x1  }
0x4c: {  	_ =	swait.ge @!p0 [sflag:s0], s1  }
0x4d: {  	s1 =	ssub.s32 @!p0 $0x0, s1;
	[sflag:s0] =	ssyncset.done @!p0 $0x0  }
0x4e: {  	[sflag:s0] =	ssyncadd.s32 @!p0 s1  }
0x4f: {  	[bflag:$0x3] =	sbarrier.arrive $0xFFFF  }
0x50: {  	_ =	shalt  }

</sc_bundles>
